<compile_context>
chip_gen: v7x
topology: tpu7x:2x2x1
jax: 0.10.2.dev20260603
libtpu: 0.0.44.dev20260713+nightly
codegen_flags: <defaults>
</compile_context>

<pallas_src>
import jax
import jax.numpy as jnp
from jax import lax
from jax.experimental import pallas as pl
from jax.experimental.pallas import tpu as pltpu
from jax.experimental.pallas import tpu_sc as plsc

T = 8192
D = 2048
E = 16

NC = 2
NS = 16
NW = NC * NS
TW = T // NW
C = 16
NCHUNK = TW // C
NBUF = 3
DELAY = 0


def _dispatch_body(th_hbm, eidx_hbm, sidx_hbm, off_hbm, out_hbm,
                   eidx_v, sidx_v, off_v, buf_v, *sems):
    in_sems = sems[:NBUF]
    out_sems = sems[NBUF:]
    wid = lax.axis_index("s") * NC + lax.axis_index("c")
    base = wid * TW

    def start_in(j, slot):
        return pltpu.async_copy(
            th_hbm.at[pl.ds(base + j * C, C), :], buf_v.at[slot],
            in_sems[slot])

    in_handles = [None] * NBUF
    out_handles = [None] * NBUF
    for j in range(min(NBUF, NCHUNK)):
        in_handles[j] = start_in(j, j)

    pltpu.sync_copy(eidx_hbm.at[pl.ds(base, TW)], eidx_v)
    pltpu.sync_copy(sidx_hbm.at[pl.ds(base, TW)], sidx_v)
    pltpu.sync_copy(off_hbm.at[pl.ds(0, E)], off_v)
    offs = off_v[...]

    for j in range(NCHUNK):
        slot = j % NBUF
        e = eidx_v[pl.ds(j * C, C)]
        s = sidx_v[pl.ds(j * C, C)]
        rows = offs.at[e].get(mode="promise_in_bounds") + s
        in_handles[slot].wait()
        out_handles[slot] = pltpu.async_copy(
            buf_v.at[slot], out_hbm.at[rows], out_sems[slot])
        pj = j - DELAY
        nj = pj + NBUF
        if pj >= 0 and nj < NCHUNK:
            out_handles[pj % NBUF].wait()
            in_handles[nj % NBUF] = start_in(nj, nj % NBUF)

    for j in range(max(0, NCHUNK - NBUF), NCHUNK):
        out_handles[j % NBUF].wait()


@jax.jit
def _dispatch(token_hidden, expert_idx, slot_idx, expert_offsets):
    mesh = plsc.VectorSubcoreMesh(core_axis_name="c", subcore_axis_name="s",
                                  num_cores=NC, num_subcores=NS)
    f = pl.kernel(
        _dispatch_body,
        out_type=jax.ShapeDtypeStruct((T, D), jnp.float32),
        mesh=mesh,
        scratch_types=[
            pltpu.VMEM((TW,), jnp.int32),
            pltpu.VMEM((TW,), jnp.int32),
            pltpu.VMEM((E,), jnp.int32),
            pltpu.VMEM((NBUF, C, D), jnp.float32),
            *([pltpu.SemaphoreType.DMA] * (2 * NBUF)),
        ],
    )
    return f(token_hidden, expert_idx, slot_idx, expert_offsets)


def kernel(token_hidden, expert_idx, slot_idx, expert_offsets):
    return _dispatch(token_hidden,
                     expert_idx.astype(jnp.int32),
                     slot_idx.astype(jnp.int32),
                     expert_offsets.astype(jnp.int32))

# --- scband reference (transcript-rebuilt; emitter-appended) ---
"""Pipeline reference for scband-model-10522669875256 (READ-ONLY COPY).

The authoritative reference and input builder live on the scoring server;
editing this copy changes nothing except your own understanding.
"""

import jax, jax.numpy as jnp
import numpy as np

T = 8192   # tokens = batch 2 * seq 4096
D = 2048   # d_model
E = 16     # experts


def setup_inputs(seed: int = 0) -> dict:
    key = jax.random.key(seed)
    k1, k2 = jax.random.split(key)
    token_hidden = jax.random.normal(k1, (T, D), dtype=jnp.float32)
    expert_idx = jax.random.randint(k2, (T,), 0, E)
    # build a consistent packed layout: offsets = prefix-sum of per-expert counts,
    # slot_idx = rank of the token within its expert group (no collisions)
    counts = jnp.bincount(expert_idx, length=E)
    expert_offsets = jnp.concatenate([jnp.zeros((1,), counts.dtype), jnp.cumsum(counts)])
    order = jnp.argsort(expert_idx, stable=True)
    ranks = jnp.arange(T) - expert_offsets[expert_idx[order]]
    slot_idx = jnp.zeros((T,), dtype=ranks.dtype).at[order].set(ranks)
    return {
        "token_hidden": token_hidden,
        "expert_idx": expert_idx,
        "slot_idx": slot_idx,
        "expert_offsets": expert_offsets,
    }


def reference(token_hidden, expert_idx, slot_idx, expert_offsets):
    # Pack tokens into expert-major dispatch layout (scatter-overwrite).
    num_rows = token_hidden.shape[0]
    rows = expert_offsets[expert_idx] + slot_idx
    out = jnp.zeros((num_rows, token_hidden.shape[1]), dtype=token_hidden.dtype)
    out = out.at[rows].set(token_hidden)
    return out


if False:  # reference __main__ guard neutralized (emitter)
    inp = setup_inputs()
    o = reference(**inp)
    print(o.shape, o.dtype)

if __name__ == "__main__":
    import jax
    _d = setup_inputs()
    print(jax.jit(kernel)(*tuple(_d.values())))

</pallas_src>

<mosaic_0001>
#map = affine_map<(d0, d1) -> (0, 0)>
#map1 = affine_map<(d0, d1) -> (0)>
module attributes {stable_mosaic.version = 14 : i64} {
  func.func @_dispatch_body(%arg0: i32, %arg1: i32, %arg2: memref<8192x2048xf32, #tpu.memory_space<hbm>>, %arg3: memref<8192xi32, #tpu.memory_space<hbm>>, %arg4: memref<8192xi32, #tpu.memory_space<hbm>>, %arg5: memref<17xi32, #tpu.memory_space<hbm>>, %arg6: memref<8192x2048xf32, #tpu.memory_space<hbm>>, %arg7: memref<256xi32, #tpu.memory_space<vmem>>, %arg8: memref<256xi32, #tpu.memory_space<vmem>>, %arg9: memref<16xi32, #tpu.memory_space<vmem>>, %arg10: memref<3x16x2048xf32, #tpu.memory_space<vmem>>, %arg11: memref<!tpu.dma_semaphore, #tpu.memory_space<semaphore_mem>>, %arg12: memref<!tpu.dma_semaphore, #tpu.memory_space<semaphore_mem>>, %arg13: memref<!tpu.dma_semaphore, #tpu.memory_space<semaphore_mem>>, %arg14: memref<!tpu.dma_semaphore, #tpu.memory_space<semaphore_mem>>, %arg15: memref<!tpu.dma_semaphore, #tpu.memory_space<semaphore_mem>>, %arg16: memref<!tpu.dma_semaphore, #tpu.memory_space<semaphore_mem>>) attributes {dimension_semantics = [#tpu.dimension_semantics<core_parallel>, #tpu.dimension_semantics<subcore_parallel>], iteration_bounds = array<i64: 2, 16>, scalar_prefetch = 0 : i64, scratch_operands = 10 : i64, tpu.core_type = #tpu.core_type<sc_vector_subcore>, window_params = [{transform_indices = #map}, {transform_indices = #map1}, {transform_indices = #map1}, {transform_indices = #map1}, {transform_indices = #map}]} {
    %mul3A = arith.constant 2 : i32
    %mul3A_0 = arith.muli %arg1, %mul3A : i32
    %add3A = arith.addi %mul3A_0, %arg0 : i32
    %mul3A_1 = arith.constant 256 : i32
    %mul3A_2 = arith.muli %add3A, %mul3A_1 : i32
    %add3A_3 = arith.constant 0 : i32
    %add3A_4 = arith.addi %mul3A_2, %add3A_3 : i32
    %dma_start3A = arith.constant 0 : i32
    %dma_start3A_5 = arith.constant 0 : i32
    %dma_start3A_6 = arith.constant 0 : i32
    %dma_start3A_7 = tpu.memref_slice %arg10[%dma_start3A, %dma_start3A_5, %dma_start3A_6] : memref<3x16x2048xf32, #tpu.memory_space<vmem>> -> memref<1x16x2048xf32, #tpu.memory_space<vmem>>
    %dma_start3A_8 = tpu.memref_squeeze %dma_start3A_7 : memref<1x16x2048xf32, #tpu.memory_space<vmem>> -> memref<16x2048xf32, #tpu.memory_space<vmem>>
    %dma_start3A_9 = arith.constant 0 : i32
    %dma_start3A_10 = tpu.memref_slice %arg2[%add3A_4, %dma_start3A_9] : memref<8192x2048xf32, #tpu.memory_space<hbm>> -> memref<16x2048xf32, #tpu.memory_space<hbm>>
    %dma_start3A_11 = arith.constant 0 : i32
    %dma_start3A_12 = arith.constant 0 : i32
    %dma_start3A_13 = tpu.memref_slice %arg10[%dma_start3A, %dma_start3A_11, %dma_start3A_12] : memref<3x16x2048xf32, #tpu.memory_space<vmem>> -> memref<1x16x2048xf32, #tpu.memory_space<vmem>>
    %dma_start3A_14 = tpu.memref_squeeze %dma_start3A_13 : memref<1x16x2048xf32, #tpu.memory_space<vmem>> -> memref<16x2048xf32, #tpu.memory_space<vmem>>
    %dma_start3A_15 = arith.constant 0 : i32
    %dma_start3A_16 = tpu.memref_slice %arg2[%add3A_4, %dma_start3A_15] : memref<8192x2048xf32, #tpu.memory_space<hbm>> -> memref<16x2048xf32, #tpu.memory_space<hbm>>
    tpu.enqueue_dma source(%dma_start3A_16 : memref<16x2048xf32, #tpu.memory_space<hbm>>) target(%dma_start3A_14 : memref<16x2048xf32, #tpu.memory_space<vmem>>) target_semaphore(%arg11 : memref<!tpu.dma_semaphore, #tpu.memory_space<semaphore_mem>>)
    %add3A_17 = arith.constant 16 : i32
    %add3A_18 = arith.addi %mul3A_2, %add3A_17 : i32
    %dma_start3A_19 = arith.constant 1 : i32
    %dma_start3A_20 = arith.constant 0 : i32
    %dma_start3A_21 = arith.constant 0 : i32
    %dma_start3A_22 = tpu.memref_slice %arg10[%dma_start3A_19, %dma_start3A_20, %dma_start3A_21] : memref<3x16x2048xf32, #tpu.memory_space<vmem>> -> memref<1x16x2048xf32, #tpu.memory_space<vmem>>
    %dma_start3A_23 = tpu.memref_squeeze %dma_start3A_22 : memref<1x16x2048xf32, #tpu.memory_space<vmem>> -> memref<16x2048xf32, #tpu.memory_space<vmem>>
    %dma_start3A_24 = arith.constant 0 : i32
    %dma_start3A_25 = tpu.memref_slice %arg2[%add3A_18, %dma_start3A_24] : memref<8192x2048xf32, #tpu.memory_space<hbm>> -> memref<16x2048xf32, #tpu.memory_space<hbm>>
    %dma_start3A_26 = arith.constant 0 : i32
    %dma_start3A_27 = arith.constant 0 : i32
    %dma_start3A_28 = tpu.memref_slice %arg10[%dma_start3A_19, %dma_start3A_26, %dma_start3A_27] : memref<3x16x2048xf32, #tpu.memory_space<vmem>> -> memref<1x16x2048xf32, #tpu.memory_space<vmem>>
    %dma_start3A_29 = tpu.memref_squeeze %dma_start3A_28 : memref<1x16x2048xf32, #tpu.memory_space<vmem>> -> memref<16x2048xf32, #tpu.memory_space<vmem>>
    %dma_start3A_30 = arith.constant 0 : i32
    %dma_start3A_31 = tpu.memref_slice %arg2[%add3A_18, %dma_start3A_30] : memref<8192x2048xf32, #tpu.memory_space<hbm>> -> memref<16x2048xf32, #tpu.memory_space<hbm>>
    tpu.enqueue_dma source(%dma_start3A_31 : memref<16x2048xf32, #tpu.memory_space<hbm>>) target(%dma_start3A_29 : memref<16x2048xf32, #tpu.memory_space<vmem>>) target_semaphore(%arg12 : memref<!tpu.dma_semaphore, #tpu.memory_space<semaphore_mem>>)
    %add3A_32 = arith.constant 32 : i32
    %add3A_33 = arith.addi %mul3A_2, %add3A_32 : i32
    %dma_start3A_34 = arith.constant 2 : i32
    %dma_start3A_35 = arith.constant 0 : i32
    %dma_start3A_36 = arith.constant 0 : i32
    %dma_start3A_37 = tpu.memref_slice %arg10[%dma_start3A_34, %dma_start3A_35, %dma_start3A_36] : memref<3x16x2048xf32, #tpu.memory_space<vmem>> -> memref<1x16x2048xf32, #tpu.memory_space<vmem>>
    %dma_start3A_38 = tpu.memref_squeeze %dma_start3A_37 : memref<1x16x2048xf32, #tpu.memory_space<vmem>> -> memref<16x2048xf32, #tpu.memory_space<vmem>>
    %dma_start3A_39 = arith.constant 0 : i32
    %dma_start3A_40 = tpu.memref_slice %arg2[%add3A_33, %dma_start3A_39] : memref<8192x2048xf32, #tpu.memory_space<hbm>> -> memref<16x2048xf32, #tpu.memory_space<hbm>>
    %dma_start3A_41 = arith.constant 0 : i32
    %dma_start3A_42 = arith.constant 0 : i32
    %dma_start3A_43 = tpu.memref_slice %arg10[%dma_start3A_34, %dma_start3A_41, %dma_start3A_42] : memref<3x16x2048xf32, #tpu.memory_space<vmem>> -> memref<1x16x2048xf32, #tpu.memory_space<vmem>>
    %dma_start3A_44 = tpu.memref_squeeze %dma_start3A_43 : memref<1x16x2048xf32, #tpu.memory_space<vmem>> -> memref<16x2048xf32, #tpu.memory_space<vmem>>
    %dma_start3A_45 = arith.constant 0 : i32
    %dma_start3A_46 = tpu.memref_slice %arg2[%add3A_33, %dma_start3A_45] : memref<8192x2048xf32, #tpu.memory_space<hbm>> -> memref<16x2048xf32, #tpu.memory_space<hbm>>
    tpu.enqueue_dma source(%dma_start3A_46 : memref<16x2048xf32, #tpu.memory_space<hbm>>) target(%dma_start3A_44 : memref<16x2048xf32, #tpu.memory_space<vmem>>) target_semaphore(%arg13 : memref<!tpu.dma_semaphore, #tpu.memory_space<semaphore_mem>>)
    "tpu.region"() ({
      %run_scoped3A = tpu.sem_alloc : memref<!tpu.dma_semaphore, #tpu.memory_space<semaphore_mem>>
      %dma_start3A_975 = tpu.memref_slice %arg3[%mul3A_2] : memref<8192xi32, #tpu.memory_space<hbm>> -> memref<256xi32, #tpu.memory_space<hbm>>
      %dma_start3A_976 = tpu.memref_slice %arg3[%mul3A_2] : memref<8192xi32, #tpu.memory_space<hbm>> -> memref<256xi32, #tpu.memory_space<hbm>>
      tpu.enqueue_dma source(%dma_start3A_976 : memref<256xi32, #tpu.memory_space<hbm>>) target(%arg7 : memref<256xi32, #tpu.memory_space<vmem>>) target_semaphore(%run_scoped3A : memref<!tpu.dma_semaphore, #tpu.memory_space<semaphore_mem>>)
      %dma_wait3A_977 = tpu.memref_slice %arg3[%mul3A_2] : memref<8192xi32, #tpu.memory_space<hbm>> -> memref<256xi32, #tpu.memory_space<hbm>>
      %dma_wait3A_978 = tpu.memref_slice %arg3[%mul3A_2] : memref<8192xi32, #tpu.memory_space<hbm>> -> memref<256xi32, #tpu.memory_space<hbm>>
      tpu.wait_dma2 semaphore(%run_scoped3A : memref<!tpu.dma_semaphore, #tpu.memory_space<semaphore_mem>>) src(%dma_wait3A_978 : memref<256xi32, #tpu.memory_space<hbm>>) dst(%arg7 : memref<256xi32, #tpu.memory_space<vmem>>)
      tpu.yield
    }) : () -> ()
    "tpu.region"() ({
      %run_scoped3A = tpu.sem_alloc : memref<!tpu.dma_semaphore, #tpu.memory_space<semaphore_mem>>
      %dma_start3A_975 = tpu.memref_slice %arg4[%mul3A_2] : memref<8192xi32, #tpu.memory_space<hbm>> -> memref<256xi32, #tpu.memory_space<hbm>>
      %dma_start3A_976 = tpu.memref_slice %arg4[%mul3A_2] : memref<8192xi32, #tpu.memory_space<hbm>> -> memref<256xi32, #tpu.memory_space<hbm>>
      tpu.enqueue_dma source(%dma_start3A_976 : memref<256xi32, #tpu.memory_space<hbm>>) target(%arg8 : memref<256xi32, #tpu.memory_space<vmem>>) target_semaphore(%run_scoped3A : memref<!tpu.dma_semaphore, #tpu.memory_space<semaphore_mem>>)
      %dma_wait3A_977 = tpu.memref_slice %arg4[%mul3A_2] : memref<8192xi32, #tpu.memory_space<hbm>> -> memref<256xi32, #tpu.memory_space<hbm>>
      %dma_wait3A_978 = tpu.memref_slice %arg4[%mul3A_2] : memref<8192xi32, #tpu.memory_space<hbm>> -> memref<256xi32, #tpu.memory_space<hbm>>
      tpu.wait_dma2 semaphore(%run_scoped3A : memref<!tpu.dma_semaphore, #tpu.memory_space<semaphore_mem>>) src(%dma_wait3A_978 : memref<256xi32, #tpu.memory_space<hbm>>) dst(%arg8 : memref<256xi32, #tpu.memory_space<vmem>>)
      tpu.yield
    }) : () -> ()
    "tpu.region"() ({
      %run_scoped3A = tpu.sem_alloc : memref<!tpu.dma_semaphore, #tpu.memory_space<semaphore_mem>>
      %dma_start3A_975 = arith.constant 0 : i32
      %dma_start3A_976 = tpu.memref_slice %arg5[%dma_start3A_975] : memref<17xi32, #tpu.memory_space<hbm>> -> memref<16xi32, #tpu.memory_space<hbm>>
      %dma_start3A_977 = arith.constant 0 : i32
      %dma_start3A_978 = tpu.memref_slice %arg5[%dma_start3A_977] : memref<17xi32, #tpu.memory_space<hbm>> -> memref<16xi32, #tpu.memory_space<hbm>>
      tpu.enqueue_dma source(%dma_start3A_978 : memref<16xi32, #tpu.memory_space<hbm>>) target(%arg9 : memref<16xi32, #tpu.memory_space<vmem>>) target_semaphore(%run_scoped3A : memref<!tpu.dma_semaphore, #tpu.memory_space<semaphore_mem>>)
      %dma_wait3A_979 = arith.constant 0 : i32
      %dma_wait3A_980 = tpu.memref_slice %arg5[%dma_wait3A_979] : memref<17xi32, #tpu.memory_space<hbm>> -> memref<16xi32, #tpu.memory_space<hbm>>
      %dma_wait3A_981 = arith.constant 0 : i32
      %dma_wait3A_982 = tpu.memref_slice %arg5[%dma_wait3A_981] : memref<17xi32, #tpu.memory_space<hbm>> -> memref<16xi32, #tpu.memory_space<hbm>>
      tpu.wait_dma2 semaphore(%run_scoped3A : memref<!tpu.dma_semaphore, #tpu.memory_space<semaphore_mem>>) src(%dma_wait3A_982 : memref<16xi32, #tpu.memory_space<hbm>>) dst(%arg9 : memref<16xi32, #tpu.memory_space<vmem>>)
      tpu.yield
    }) : () -> ()
    %get3A = arith.constant 0 : index
    %get3A_47 = tpu.vector_load %arg9[%get3A] {strides = array<i32>} : memref<16xi32, #tpu.memory_space<vmem>>, vector<16xi32>,
    %get3A_48 = vector.shape_cast %get3A_47 : vector<16xi32> to vector<16xi32>
    %get3A_49 = arith.constant 0 : index
    %get3A_50 = tpu.vector_load %arg7[%get3A_49] {strides = array<i32>} : memref<256xi32, #tpu.memory_space<vmem>>, vector<16xi32>,
    %get3A_51 = vector.shape_cast %get3A_50 : vector<16xi32> to vector<16xi32>
    %get3A_52 = arith.constant 0 : index
    %get3A_53 = tpu.vector_load %arg8[%get3A_52] {strides = array<i32>} : memref<256xi32, #tpu.memory_space<vmem>>, vector<16xi32>,
    %get3A_54 = vector.shape_cast %get3A_53 : vector<16xi32> to vector<16xi32>
    %lt3A = arith.constant 0 : i32
    %lt3A_55 = vector.broadcast %lt3A : i32 to vector<16xi32>
    %lt3A_56 = arith.cmpi slt, %get3A_51, %lt3A_55 : vector<16xi32>
    %add3A_57 = arith.constant 16 : i32
    %add3A_58 = vector.broadcast %add3A_57 : i32 to vector<16xi32>
    %add3A_59 = arith.addi %get3A_51, %add3A_58 : vector<16xi32>
    %select_n3A = arith.select %lt3A_56, %add3A_59, %get3A_51 : vector<16xi1>, vector<16xi32>
    %broadcast_in_dim3A = vector.shape_cast %select_n3A : vector<16xi32> to vector<16x1xi32>
    %gather3A = vector.shape_cast %broadcast_in_dim3A : vector<16x1xi32> to vector<16xi32>
    %gather3A_60 = tpu.dynamic_gather %get3A_48[%gather3A] in [0] : vector<16xi32>, vector<16xi32> -> vector<16xi32>
    %add3A_61 = arith.addi %gather3A_60, %get3A_54 : vector<16xi32>
    %dma_wait3A = arith.constant 0 : i32
    %dma_wait3A_62 = arith.constant 0 : i32
    %dma_wait3A_63 = arith.constant 0 : i32
    %dma_wait3A_64 = tpu.memref_slice %arg10[%dma_wait3A, %dma_wait3A_62, %dma_wait3A_63] : memref<3x16x2048xf32, #tpu.memory_space<vmem>> -> memref<1x16x2048xf32, #tpu.memory_space<vmem>>
    %dma_wait3A_65 = tpu.memref_squeeze %dma_wait3A_64 : memref<1x16x2048xf32, #tpu.memory_space<vmem>> -> memref<16x2048xf32, #tpu.memory_space<vmem>>
    %dma_wait3A_66 = arith.constant 0 : i32
    %dma_wait3A_67 = tpu.memref_slice %arg2[%add3A_4, %dma_wait3A_66] : memref<8192x2048xf32, #tpu.memory_space<hbm>> -> memref<16x2048xf32, #tpu.memory_space<hbm>>
    %dma_wait3A_68 = arith.constant 0 : i32
    %dma_wait3A_69 = arith.constant 0 : i32
    %dma_wait3A_70 = tpu.memref_slice %arg10[%dma_wait3A, %dma_wait3A_68, %dma_wait3A_69] : memref<3x16x2048xf32, #tpu.memory_space<vmem>> -> memref<1x16x2048xf32, #tpu.memory_space<vmem>>
    %dma_wait3A_71 = tpu.memref_squeeze %dma_wait3A_70 : memref<1x16x2048xf32, #tpu.memory_space<vmem>> -> memref<16x2048xf32, #tpu.memory_space<vmem>>
    %dma_wait3A_72 = arith.constant 0 : i32
    %dma_wait3A_73 = tpu.memref_slice %arg2[%add3A_4, %dma_wait3A_72] : memref<8192x2048xf32, #tpu.memory_space<hbm>> -> memref<16x2048xf32, #tpu.memory_space<hbm>>
    tpu.wait_dma2 semaphore(%arg11 : memref<!tpu.dma_semaphore, #tpu.memory_space<semaphore_mem>>) src(%dma_wait3A_73 : memref<16x2048xf32, #tpu.memory_space<hbm>>) dst(%dma_wait3A_71 : memref<16x2048xf32, #tpu.memory_space<vmem>>)
    %dma_start3A_74 = arith.constant 0 : i32
    %dma_start3A_75 = arith.constant 0 : i32
    %dma_start3A_76 = arith.constant 0 : i32
    %dma_start3A_77 = tpu.memref_slice %arg10[%dma_start3A_74, %dma_start3A_75, %dma_start3A_76] : memref<3x16x2048xf32, #tpu.memory_space<vmem>> -> memref<1x16x2048xf32, #tpu.memory_space<vmem>>
    %dma_start3A_78 = tpu.memref_squeeze %dma_start3A_77 : memref<1x16x2048xf32, #tpu.memory_space<vmem>> -> memref<16x2048xf32, #tpu.memory_space<vmem>>
    %dma_start3A_79 = arith.constant 0 : i32
    %dma_start3A_80 = arith.constant 0 : i32
    %dma_start3A_81 = tpu.memref_slice %arg6[%dma_start3A_79, %dma_start3A_80] : memref<8192x2048xf32, #tpu.memory_space<hbm>> -> memref<8192x2048xf32, #tpu.memory_space<hbm>>
    tpu.enqueue_indirect_dma source(%dma_start3A_78 : memref<16x2048xf32, #tpu.memory_space<vmem>>) target(%dma_start3A_81 : memref<8192x2048xf32, #tpu.memory_space<hbm>>) offsets(%add3A_61 : vector<16xi32>) semaphore(%arg14 : memref<!tpu.dma_semaphore, #tpu.memory_space<semaphore_mem>>)
    %dma_wait3A_82 = arith.constant 0 : i32
    %dma_wait3A_83 = arith.constant 0 : i32
    %dma_wait3A_84 = arith.constant 0 : i32
    %dma_wait3A_85 = tpu.memref_slice %arg10[%dma_wait3A_82, %dma_wait3A_83, %dma_wait3A_84] : memref<3x16x2048xf32, #tpu.memory_space<vmem>> -> memref<1x16x2048xf32, #tpu.memory_space<vmem>>
    %dma_wait3A_86 = tpu.memref_squeeze %dma_wait3A_85 : memref<1x16x2048xf32, #tpu.memory_space<vmem>> -> memref<16x2048xf32, #tpu.memory_space<vmem>>
    %dma_wait3A_87 = arith.constant 0 : i32
    %dma_wait3A_88 = arith.constant 0 : i32
    %dma_wait3A_89 = tpu.memref_slice %arg6[%dma_wait3A_87, %dma_wait3A_88] : memref<8192x2048xf32, #tpu.memory_space<hbm>> -> memref<8192x2048xf32, #tpu.memory_space<hbm>>
    tpu.wait_indirect_dma semaphore(%arg14 : memref<!tpu.dma_semaphore, #tpu.memory_space<semaphore_mem>>) src(%dma_wait3A_86 : memref<16x2048xf32, #tpu.memory_space<vmem>>) dst(%dma_wait3A_89 : memref<8192x2048xf32, #tpu.memory_space<hbm>>)
    %add3A_90 = arith.constant 48 : i32
    %add3A_91 = arith.addi %mul3A_2, %add3A_90 : i32
    %dma_start3A_92 = arith.constant 0 : i32
    %dma_start3A_93 = arith.constant 0 : i32
    %dma_start3A_94 = arith.constant 0 : i32
    %dma_start3A_95 = tpu.memref_slice %arg10[%dma_start3A_92, %dma_start3A_93, %dma_start3A_94] : memref<3x16x2048xf32, #tpu.memory_space<vmem>> -> memref<1x16x2048xf32, #tpu.memory_space<vmem>>
    %dma_start3A_96 = tpu.memref_squeeze %dma_start3A_95 : memref<1x16x2048xf32, #tpu.memory_space<vmem>> -> memref<16x2048xf32, #tpu.memory_space<vmem>>
    %dma_start3A_97 = arith.constant 0 : i32
    %dma_start3A_98 = tpu.memref_slice %arg2[%add3A_91, %dma_start3A_97] : memref<8192x2048xf32, #tpu.memory_space<hbm>> -> memref<16x2048xf32, #tpu.memory_space<hbm>>
    %dma_start3A_99 = arith.constant 0 : i32
    %dma_start3A_100 = arith.constant 0 : i32
    %dma_start3A_101 = tpu.memref_slice %arg10[%dma_start3A_92, %dma_start3A_99, %dma_start3A_100] : memref<3x16x2048xf32, #tpu.memory_space<vmem>> -> memref<1x16x2048xf32, #tpu.memory_space<vmem>>
    %dma_start3A_102 = tpu.memref_squeeze %dma_start3A_101 : memref<1x16x2048xf32, #tpu.memory_space<vmem>> -> memref<16x2048xf32, #tpu.memory_space<vmem>>
    %dma_start3A_103 = arith.constant 0 : i32
    %dma_start3A_104 = tpu.memref_slice %arg2[%add3A_91, %dma_start3A_103] : memref<8192x2048xf32, #tpu.memory_space<hbm>> -> memref<16x2048xf32, #tpu.memory_space<hbm>>
    tpu.enqueue_dma source(%dma_start3A_104 : memref<16x2048xf32, #tpu.memory_space<hbm>>) target(%dma_start3A_102 : memref<16x2048xf32, #tpu.memory_space<vmem>>) target_semaphore(%arg11 : memref<!tpu.dma_semaphore, #tpu.memory_space<semaphore_mem>>)
    %get3A_105 = arith.constant 16 : index
    %get3A_106 = tpu.vector_load %arg7[%get3A_105] {strides = array<i32>} : memref<256xi32, #tpu.memory_space<vmem>>, vector<16xi32>,
    %get3A_107 = vector.shape_cast %get3A_106 : vector<16xi32> to vector<16xi32>
    %get3A_108 = arith.constant 16 : index
    %get3A_109 = tpu.vector_load %arg8[%get3A_108] {strides = array<i32>} : memref<256xi32, #tpu.memory_space<vmem>>, vector<16xi32>,
    %get3A_110 = vector.shape_cast %get3A_109 : vector<16xi32> to vector<16xi32>
    %lt3A_111 = arith.constant 0 : i32
    %lt3A_112 = vector.broadcast %lt3A_111 : i32 to vector<16xi32>
    %lt3A_113 = arith.cmpi slt, %get3A_107, %lt3A_112 : vector<16xi32>
    %add3A_114 = arith.constant 16 : i32
    %add3A_115 = vector.broadcast %add3A_114 : i32 to vector<16xi32>
    %add3A_116 = arith.addi %get3A_107, %add3A_115 : vector<16xi32>
    %select_n3A_117 = arith.select %lt3A_113, %add3A_116, %get3A_107 : vector<16xi1>, vector<16xi32>
    %broadcast_in_dim3A_118 = vector.shape_cast %select_n3A_117 : vector<16xi32> to vector<16x1xi32>
    %gather3A_119 = vector.shape_cast %broadcast_in_dim3A_118 : vector<16x1xi32> to vector<16xi32>
    %gather3A_120 = tpu.dynamic_gather %get3A_48[%gather3A_119] in [0] : vector<16xi32>, vector<16xi32> -> vector<16xi32>
    %add3A_121 = arith.addi %gather3A_120, %get3A_110 : vector<16xi32>
    %dma_wait3A_122 = arith.constant 1 : i32
    %dma_wait3A_123 = arith.constant 0 : i32
    %dma_wait3A_124 = arith.constant 0 : i32
    %dma_wait3A_125 = tpu.memref_slice %arg10[%dma_wait3A_122, %dma_wait3A_123, %dma_wait3A_124] : memref<3x16x2048xf32, #tpu.memory_space<vmem>> -> memref<1x16x2048xf32, #tpu.memory_space<vmem>>
    %dma_wait3A_126 = tpu.memref_squeeze %dma_wait3A_125 : memref<1x16x2048xf32, #tpu.memory_space<vmem>> -> memref<16x2048xf32, #tpu.memory_space<vmem>>
    %dma_wait3A_127 = arith.constant 0 : i32
    %dma_wait3A_128 = tpu.memref_slice %arg2[%add3A_18, %dma_wait3A_127] : memref<8192x2048xf32, #tpu.memory_space<hbm>> -> memref<16x2048xf32, #tpu.memory_space<hbm>>
    %dma_wait3A_129 = arith.constant 0 : i32
    %dma_wait3A_130 = arith.constant 0 : i32
    %dma_wait3A_131 = tpu.memref_slice %arg10[%dma_wait3A_122, %dma_wait3A_129, %dma_wait3A_130] : memref<3x16x2048xf32, #tpu.memory_space<vmem>> -> memref<1x16x2048xf32, #tpu.memory_space<vmem>>
    %dma_wait3A_132 = tpu.memref_squeeze %dma_wait3A_131 : memref<1x16x2048xf32, #tpu.memory_space<vmem>> -> memref<16x2048xf32, #tpu.memory_space<vmem>>
    %dma_wait3A_133 = arith.constant 0 : i32
    %dma_wait3A_134 = tpu.memref_slice %arg2[%add3A_18, %dma_wait3A_133] : memref<8192x2048xf32, #tpu.memory_space<hbm>> -> memref<16x2048xf32, #tpu.memory_space<hbm>>
    tpu.wait_dma2 semaphore(%arg12 : memref<!tpu.dma_semaphore, #tpu.memory_space<semaphore_mem>>) src(%dma_wait3A_134 : memref<16x2048xf32, #tpu.memory_space<hbm>>) dst(%dma_wait3A_132 : memref<16x2048xf32, #tpu.memory_space<vmem>>)
    %dma_start3A_135 = arith.constant 1 : i32
    %dma_start3A_136 = arith.constant 0 : i32
    %dma_start3A_137 = arith.constant 0 : i32
    %dma_start3A_138 = tpu.memref_slice %arg10[%dma_start3A_135, %dma_start3A_136, %dma_start3A_137] : memref<3x16x2048xf32, #tpu.memory_space<vmem>> -> memref<1x16x2048xf32, #tpu.memory_space<vmem>>
    %dma_start3A_139 = tpu.memref_squeeze %dma_start3A_138 : memref<1x16x2048xf32, #tpu.memory_space<vmem>> -> memref<16x2048xf32, #tpu.memory_space<vmem>>
    %dma_start3A_140 = arith.constant 0 : i32
    %dma_start3A_141 = arith.constant 0 : i32
    %dma_start3A_142 = tpu.memref_slice %arg6[%dma_start3A_140, %dma_start3A_141] : memref<8192x2048xf32, #tpu.memory_space<hbm>> -> memref<8192x2048xf32, #tpu.memory_space<hbm>>
    tpu.enqueue_indirect_dma source(%dma_start3A_139 : memref<16x2048xf32, #tpu.memory_space<vmem>>) target(%dma_start3A_142 : memref<8192x2048xf32, #tpu.memory_space<hbm>>) offsets(%add3A_121 : vector<16xi32>) semaphore(%arg15 : memref<!tpu.dma_semaphore, #tpu.memory_space<semaphore_mem>>)
    %dma_wait3A_143 = arith.constant 1 : i32
    %dma_wait3A_144 = arith.constant 0 : i32
    %dma_wait3A_145 = arith.constant 0 : i32
    %dma_wait3A_146 = tpu.memref_slice %arg10[%dma_wait3A_143, %dma_wait3A_144, %dma_wait3A_145] : memref<3x16x2048xf32, #tpu.memory_space<vmem>> -> memref<1x16x2048xf32, #tpu.memory_space<vmem>>
    %dma_wait3A_147 = tpu.memref_squeeze %dma_wait3A_146 : memref<1x16x2048xf32, #tpu.memory_space<vmem>> -> memref<16x2048xf32, #tpu.memory_space<vmem>>
    %dma_wait3A_148 = arith.constant 0 : i32
    %dma_wait3A_149 = arith.constant 0 : i32
    %dma_wait3A_150 = tpu.memref_slice %arg6[%dma_wait3A_148, %dma_wait3A_149] : memref<8192x2048xf32, #tpu.memory_space<hbm>> -> memref<8192x2048xf32, #tpu.memory_space<hbm>>
    tpu.wait_indirect_dma semaphore(%arg15 : memref<!tpu.dma_semaphore, #tpu.memory_space<semaphore_mem>>) src(%dma_wait3A_147 : memref<16x2048xf32, #tpu.memory_space<vmem>>) dst(%dma_wait3A_150 : memref<8192x2048xf32, #tpu.memory_space<hbm>>)
    %add3A_151 = arith.constant 64 : i32
    %add3A_152 = arith.addi %mul3A_2, %add3A_151 : i32
    %dma_start3A_153 = arith.constant 1 : i32
    %dma_start3A_154 = arith.constant 0 : i32
    %dma_start3A_155 = arith.constant 0 : i32
    %dma_start3A_156 = tpu.memref_slice %arg10[%dma_start3A_153, %dma_start3A_154, %dma_start3A_155] : memref<3x16x2048xf32, #tpu.memory_space<vmem>> -> memref<1x16x2048xf32, #tpu.memory_space<vmem>>
    %dma_start3A_157 = tpu.memref_squeeze %dma_start3A_156 : memref<1x16x2048xf32, #tpu.memory_space<vmem>> -> memref<16x2048xf32, #tpu.memory_space<vmem>>
    %dma_start3A_158 = arith.constant 0 : i32
    %dma_start3A_159 = tpu.memref_slice %arg2[%add3A_152, %dma_start3A_158] : memref<8192x2048xf32, #tpu.memory_space<hbm>> -> memref<16x2048xf32, #tpu.memory_space<hbm>>
    %dma_start3A_160 = arith.constant 0 : i32
    %dma_start3A_161 = arith.constant 0 : i32
    %dma_start3A_162 = tpu.memref_slice %arg10[%dma_start3A_153, %dma_start3A_160, %dma_start3A_161] : memref<3x16x2048xf32, #tpu.memory_space<vmem>> -> memref<1x16x2048xf32, #tpu.memory_space<vmem>>
    %dma_start3A_163 = tpu.memref_squeeze %dma_start3A_162 : memref<1x16x2048xf32, #tpu.memory_space<vmem>> -> memref<16x2048xf32, #tpu.memory_space<vmem>>
    %dma_start3A_164 = arith.constant 0 : i32
    %dma_start3A_165 = tpu.memref_slice %arg2[%add3A_152, %dma_start3A_164] : memref<8192x2048xf32, #tpu.memory_space<hbm>> -> memref<16x2048xf32, #tpu.memory_space<hbm>>
    tpu.enqueue_dma source(%dma_start3A_165 : memref<16x2048xf32, #tpu.memory_space<hbm>>) target(%dma_start3A_163 : memref<16x2048xf32, #tpu.memory_space<vmem>>) target_semaphore(%arg12 : memref<!tpu.dma_semaphore, #tpu.memory_space<semaphore_mem>>)
    %get3A_166 = arith.constant 32 : index
    %get3A_167 = tpu.vector_load %arg7[%get3A_166] {strides = array<i32>} : memref<256xi32, #tpu.memory_space<vmem>>, vector<16xi32>,
    %get3A_168 = vector.shape_cast %get3A_167 : vector<16xi32> to vector<16xi32>
    %get3A_169 = arith.constant 32 : index
    %get3A_170 = tpu.vector_load %arg8[%get3A_169] {strides = array<i32>} : memref<256xi32, #tpu.memory_space<vmem>>, vector<16xi32>,
    %get3A_171 = vector.shape_cast %get3A_170 : vector<16xi32> to vector<16xi32>
    %lt3A_172 = arith.constant 0 : i32
    %lt3A_173 = vector.broadcast %lt3A_172 : i32 to vector<16xi32>
    %lt3A_174 = arith.cmpi slt, %get3A_168, %lt3A_173 : vector<16xi32>
    %add3A_175 = arith.constant 16 : i32
    %add3A_176 = vector.broadcast %add3A_175 : i32 to vector<16xi32>
    %add3A_177 = arith.addi %get3A_168, %add3A_176 : vector<16xi32>
    %select_n3A_178 = arith.select %lt3A_174, %add3A_177, %get3A_168 : vector<16xi1>, vector<16xi32>
    %broadcast_in_dim3A_179 = vector.shape_cast %select_n3A_178 : vector<16xi32> to vector<16x1xi32>
    %gather3A_180 = vector.shape_cast %broadcast_in_dim3A_179 : vector<16x1xi32> to vector<16xi32>
    %gather3A_181 = tpu.dynamic_gather %get3A_48[%gather3A_180] in [0] : vector<16xi32>, vector<16xi32> -> vector<16xi32>
    %add3A_182 = arith.addi %gather3A_181, %get3A_171 : vector<16xi32>
    %dma_wait3A_183 = arith.constant 2 : i32
    %dma_wait3A_184 = arith.constant 0 : i32
    %dma_wait3A_185 = arith.constant 0 : i32
    %dma_wait3A_186 = tpu.memref_slice %arg10[%dma_wait3A_183, %dma_wait3A_184, %dma_wait3A_185] : memref<3x16x2048xf32, #tpu.memory_space<vmem>> -> memref<1x16x2048xf32, #tpu.memory_space<vmem>>
    %dma_wait3A_187 = tpu.memref_squeeze %dma_wait3A_186 : memref<1x16x2048xf32, #tpu.memory_space<vmem>> -> memref<16x2048xf32, #tpu.memory_space<vmem>>
    %dma_wait3A_188 = arith.constant 0 : i32
    %dma_wait3A_189 = tpu.memref_slice %arg2[%add3A_33, %dma_wait3A_188] : memref<8192x2048xf32, #tpu.memory_space<hbm>> -> memref<16x2048xf32, #tpu.memory_space<hbm>>
    %dma_wait3A_190 = arith.constant 0 : i32
    %dma_wait3A_191 = arith.constant 0 : i32
    %dma_wait3A_192 = tpu.memref_slice %arg10[%dma_wait3A_183, %dma_wait3A_190, %dma_wait3A_191] : memref<3x16x2048xf32, #tpu.memory_space<vmem>> -> memref<1x16x2048xf32, #tpu.memory_space<vmem>>
    %dma_wait3A_193 = tpu.memref_squeeze %dma_wait3A_192 : memref<1x16x2048xf32, #tpu.memory_space<vmem>> -> memref<16x2048xf32, #tpu.memory_space<vmem>>
    %dma_wait3A_194 = arith.constant 0 : i32
    %dma_wait3A_195 = tpu.memref_slice %arg2[%add3A_33, %dma_wait3A_194] : memref<8192x2048xf32, #tpu.memory_space<hbm>> -> memref<16x2048xf32, #tpu.memory_space<hbm>>
    tpu.wait_dma2 semaphore(%arg13 : memref<!tpu.dma_semaphore, #tpu.memory_space<semaphore_mem>>) src(%dma_wait3A_195 : memref<16x2048xf32, #tpu.memory_space<hbm>>) dst(%dma_wait3A_193 : memref<16x2048xf32, #tpu.memory_space<vmem>>)
    %dma_start3A_196 = arith.constant 2 : i32
    %dma_start3A_197 = arith.constant 0 : i32
    %dma_start3A_198 = arith.constant 0 : i32
    %dma_start3A_199 = tpu.memref_slice %arg10[%dma_start3A_196, %dma_start3A_197, %dma_start3A_198] : memref<3x16x2048xf32, #tpu.memory_space<vmem>> -> memref<1x16x2048xf32, #tpu.memory_space<vmem>>
    %dma_start3A_200 = tpu.memref_squeeze %dma_start3A_199 : memref<1x16x2048xf32, #tpu.memory_space<vmem>> -> memref<16x2048xf32, #tpu.memory_space<vmem>>
    %dma_start3A_201 = arith.constant 0 : i32
    %dma_start3A_202 = arith.constant 0 : i32
    %dma_start3A_203 = tpu.memref_slice %arg6[%dma_start3A_201, %dma_start3A_202] : memref<8192x2048xf32, #tpu.memory_space<hbm>> -> memref<8192x2048xf32, #tpu.memory_space<hbm>>
    tpu.enqueue_indirect_dma source(%dma_start3A_200 : memref<16x2048xf32, #tpu.memory_space<vmem>>) target(%dma_start3A_203 : memref<8192x2048xf32, #tpu.memory_space<hbm>>) offsets(%add3A_182 : vector<16xi32>) semaphore(%arg16 : memref<!tpu.dma_semaphore, #tpu.memory_space<semaphore_mem>>)
    %dma_wait3A_204 = arith.constant 2 : i32
    %dma_wait3A_205 = arith.constant 0 : i32
    %dma_wait3A_206 = arith.constant 0 : i32
    %dma_wait3A_207 = tpu.memref_slice %arg10[%dma_wait3A_204, %dma_wait3A_205, %dma_wait3A_206] : memref<3x16x2048xf32, #tpu.memory_space<vmem>> -> memref<1x16x2048xf32, #tpu.memory_space<vmem>>
    %dma_wait3A_208 = tpu.memref_squeeze %dma_wait3A_207 : memref<1x16x2048xf32, #tpu.memory_space<vmem>> -> memref<16x2048xf32, #tpu.memory_space<vmem>>
    %dma_wait3A_209 = arith.constant 0 : i32
    %dma_wait3A_210 = arith.constant 0 : i32
    %dma_wait3A_211 = tpu.memref_slice %arg6[%dma_wait3A_209, %dma_wait3A_210] : memref<8192x2048xf32, #tpu.memory_space<hbm>> -> memref<8192x2048xf32, #tpu.memory_space<hbm>>
    tpu.wait_indirect_dma semaphore(%arg16 : memref<!tpu.dma_semaphore, #tpu.memory_space<semaphore_mem>>) src(%dma_wait3A_208 : memref<16x2048xf32, #tpu.memory_space<vmem>>) dst(%dma_wait3A_211 : memref<8192x2048xf32, #tpu.memory_space<hbm>>)
    %add3A_212 = arith.constant 80 : i32
    %add3A_213 = arith.addi %mul3A_2, %add3A_212 : i32
    %dma_start3A_214 = arith.constant 2 : i32
    %dma_start3A_215 = arith.constant 0 : i32
    %dma_start3A_216 = arith.constant 0 : i32
    %dma_start3A_217 = tpu.memref_slice %arg10[%dma_start3A_214, %dma_start3A_215, %dma_start3A_216] : memref<3x16x2048xf32, #tpu.memory_space<vmem>> -> memref<1x16x2048xf32, #tpu.memory_space<vmem>>
    %dma_start3A_218 = tpu.memref_squeeze %dma_start3A_217 : memref<1x16x2048xf32, #tpu.memory_space<vmem>> -> memref<16x2048xf32, #tpu.memory_space<vmem>>
    %dma_start3A_219 = arith.constant 0 : i32
    %dma_start3A_220 = tpu.memref_slice %arg2[%add3A_213, %dma_start3A_219] : memref<8192x2048xf32, #tpu.memory_space<hbm>> -> memref<16x2048xf32, #tpu.memory_space<hbm>>
    %dma_start3A_221 = arith.constant 0 : i32
    %dma_start3A_222 = arith.constant 0 : i32
    %dma_start3A_223 = tpu.memref_slice %arg10[%dma_start3A_214, %dma_start3A_221, %dma_start3A_222] : memref<3x16x2048xf32, #tpu.memory_space<vmem>> -> memref<1x16x2048xf32, #tpu.memory_space<vmem>>
    %dma_start3A_224 = tpu.memref_squeeze %dma_start3A_223 : memref<1x16x2048xf32, #tpu.memory_space<vmem>> -> memref<16x2048xf32, #tpu.memory_space<vmem>>
    %dma_start3A_225 = arith.constant 0 : i32
    %dma_start3A_226 = tpu.memref_slice %arg2[%add3A_213, %dma_start3A_225] : memref<8192x2048xf32, #tpu.memory_space<hbm>> -> memref<16x2048xf32, #tpu.memory_space<hbm>>
    tpu.enqueue_dma source(%dma_start3A_226 : memref<16x2048xf32, #tpu.memory_space<hbm>>) target(%dma_start3A_224 : memref<16x2048xf32, #tpu.memory_space<vmem>>) target_semaphore(%arg13 : memref<!tpu.dma_semaphore, #tpu.memory_space<semaphore_mem>>)
    %get3A_227 = arith.constant 48 : index
    %get3A_228 = tpu.vector_load %arg7[%get3A_227] {strides = array<i32>} : memref<256xi32, #tpu.memory_space<vmem>>, vector<16xi32>,
    %get3A_229 = vector.shape_cast %get3A_228 : vector<16xi32> to vector<16xi32>
    %get3A_230 = arith.constant 48 : index
    %get3A_231 = tpu.vector_load %arg8[%get3A_230] {strides = array<i32>} : memref<256xi32, #tpu.memory_space<vmem>>, vector<16xi32>,
    %get3A_232 = vector.shape_cast %get3A_231 : vector<16xi32> to vector<16xi32>
    %lt3A_233 = arith.constant 0 : i32
    %lt3A_234 = vector.broadcast %lt3A_233 : i32 to vector<16xi32>
    %lt3A_235 = arith.cmpi slt, %get3A_229, %lt3A_234 : vector<16xi32>
    %add3A_236 = arith.constant 16 : i32
    %add3A_237 = vector.broadcast %add3A_236 : i32 to vector<16xi32>
    %add3A_238 = arith.addi %get3A_229, %add3A_237 : vector<16xi32>
    %select_n3A_239 = arith.select %lt3A_235, %add3A_238, %get3A_229 : vector<16xi1>, vector<16xi32>
    %broadcast_in_dim3A_240 = vector.shape_cast %select_n3A_239 : vector<16xi32> to vector<16x1xi32>
    %gather3A_241 = vector.shape_cast %broadcast_in_dim3A_240 : vector<16x1xi32> to vector<16xi32>
    %gather3A_242 = tpu.dynamic_gather %get3A_48[%gather3A_241] in [0] : vector<16xi32>, vector<16xi32> -> vector<16xi32>
    %add3A_243 = arith.addi %gather3A_242, %get3A_232 : vector<16xi32>
    %dma_wait3A_244 = arith.constant 0 : i32
    %dma_wait3A_245 = arith.constant 0 : i32
    %dma_wait3A_246 = arith.constant 0 : i32
    %dma_wait3A_247 = tpu.memref_slice %arg10[%dma_wait3A_244, %dma_wait3A_245, %dma_wait3A_246] : memref<3x16x2048xf32, #tpu.memory_space<vmem>> -> memref<1x16x2048xf32, #tpu.memory_space<vmem>>
    %dma_wait3A_248 = tpu.memref_squeeze %dma_wait3A_247 : memref<1x16x2048xf32, #tpu.memory_space<vmem>> -> memref<16x2048xf32, #tpu.memory_space<vmem>>
    %dma_wait3A_249 = arith.constant 0 : i32
    %dma_wait3A_250 = tpu.memref_slice %arg2[%add3A_91, %dma_wait3A_249] : memref<8192x2048xf32, #tpu.memory_space<hbm>> -> memref<16x2048xf32, #tpu.memory_space<hbm>>
    %dma_wait3A_251 = arith.constant 0 : i32
    %dma_wait3A_252 = arith.constant 0 : i32
    %dma_wait3A_253 = tpu.memref_slice %arg10[%dma_wait3A_244, %dma_wait3A_251, %dma_wait3A_252] : memref<3x16x2048xf32, #tpu.memory_space<vmem>> -> memref<1x16x2048xf32, #tpu.memory_space<vmem>>
    %dma_wait3A_254 = tpu.memref_squeeze %dma_wait3A_253 : memref<1x16x2048xf32, #tpu.memory_space<vmem>> -> memref<16x2048xf32, #tpu.memory_space<vmem>>
    %dma_wait3A_255 = arith.constant 0 : i32
    %dma_wait3A_256 = tpu.memref_slice %arg2[%add3A_91, %dma_wait3A_255] : memref<8192x2048xf32, #tpu.memory_space<hbm>> -> memref<16x2048xf32, #tpu.memory_space<hbm>>
    tpu.wait_dma2 semaphore(%arg11 : memref<!tpu.dma_semaphore, #tpu.memory_space<semaphore_mem>>) src(%dma_wait3A_256 : memref<16x2048xf32, #tpu.memory_space<hbm>>) dst(%dma_wait3A_254 : memref<16x2048xf32, #tpu.memory_space<vmem>>)
    %dma_start3A_257 = arith.constant 0 : i32
    %dma_start3A_258 = arith.constant 0 : i32
    %dma_start3A_259 = arith.constant 0 : i32
    %dma_start3A_260 = tpu.memref_slice %arg10[%dma_start3A_257, %dma_start3A_258, %dma_start3A_259] : memref<3x16x2048xf32, #tpu.memory_space<vmem>> -> memref<1x16x2048xf32, #tpu.memory_space<vmem>>
    %dma_start3A_261 = tpu.memref_squeeze %dma_start3A_260 : memref<1x16x2048xf32, #tpu.memory_space<vmem>> -> memref<16x2048xf32, #tpu.memory_space<vmem>>
    %dma_start3A_262 = arith.constant 0 : i32
    %dma_start3A_263 = arith.constant 0 : i32
    %dma_start3A_264 = tpu.memref_slice %arg6[%dma_start3A_262, %dma_start3A_263] : memref<8192x2048xf32, #tpu.memory_space<hbm>> -> memref<8192x2048xf32, #tpu.memory_space<hbm>>
    tpu.enqueue_indirect_dma source(%dma_start3A_261 : memref<16x2048xf32, #tpu.memory_space<vmem>>) target(%dma_start3A_264 : memref<8192x2048xf32, #tpu.memory_space<hbm>>) offsets(%add3A_243 : vector<16xi32>) semaphore(%arg14 : memref<!tpu.dma_semaphore, #tpu.memory_space<semaphore_mem>>)
    %dma_wait3A_265 = arith.constant 0 : i32
    %dma_wait3A_266 = arith.constant 0 : i32
    %dma_wait3A_267 = arith.constant 0 : i32
    %dma_wait3A_268 = tpu.memref_slice %arg10[%dma_wait3A_265, %dma_wait3A_266, %dma_wait3A_267] : memref<3x16x2048xf32, #tpu.memory_space<vmem>> -> memref<1x16x2048xf32, #tpu.memory_space<vmem>>
    %dma_wait3A_269 = tpu.memref_squeeze %dma_wait3A_268 : memref<1x16x2048xf32, #tpu.memory_space<vmem>> -> memref<16x2048xf32, #tpu.memory_space<vmem>>
    %dma_wait3A_270 = arith.constant 0 : i32
    %dma_wait3A_271 = arith.constant 0 : i32
    %dma_wait3A_272 = tpu.memref_slice %arg6[%dma_wait3A_270, %dma_wait3A_271] : memref<8192x2048xf32, #tpu.memory_space<hbm>> -> memref<8192x2048xf32, #tpu.memory_space<hbm>>
    tpu.wait_indirect_dma semaphore(%arg14 : memref<!tpu.dma_semaphore, #tpu.memory_space<semaphore_mem>>) src(%dma_wait3A_269 : memref<16x2048xf32, #tpu.memory_space<vmem>>) dst(%dma_wait3A_272 : memref<8192x2048xf32, #tpu.memory_space<hbm>>)
    %add3A_273 = arith.constant 96 : i32
    %add3A_274 = arith.addi %mul3A_2, %add3A_273 : i32
    %dma_start3A_275 = arith.constant 0 : i32
    %dma_start3A_276 = arith.constant 0 : i32
    %dma_start3A_277 = arith.constant 0 : i32
    %dma_start3A_278 = tpu.memref_slice %arg10[%dma_start3A_275, %dma_start3A_276, %dma_start3A_277] : memref<3x16x2048xf32, #tpu.memory_space<vmem>> -> memref<1x16x2048xf32, #tpu.memory_space<vmem>>
    %dma_start3A_279 = tpu.memref_squeeze %dma_start3A_278 : memref<1x16x2048xf32, #tpu.memory_space<vmem>> -> memref<16x2048xf32, #tpu.memory_space<vmem>>
    %dma_start3A_280 = arith.constant 0 : i32
    %dma_start3A_281 = tpu.memref_slice %arg2[%add3A_274, %dma_start3A_280] : memref<8192x2048xf32, #tpu.memory_space<hbm>> -> memref<16x2048xf32, #tpu.memory_space<hbm>>
    %dma_start3A_282 = arith.constant 0 : i32
    %dma_start3A_283 = arith.constant 0 : i32
    %dma_start3A_284 = tpu.memref_slice %arg10[%dma_start3A_275, %dma_start3A_282, %dma_start3A_283] : memref<3x16x2048xf32, #tpu.memory_space<vmem>> -> memref<1x16x2048xf32, #tpu.memory_space<vmem>>
    %dma_start3A_285 = tpu.memref_squeeze %dma_start3A_284 : memref<1x16x2048xf32, #tpu.memory_space<vmem>> -> memref<16x2048xf32, #tpu.memory_space<vmem>>
    %dma_start3A_286 = arith.constant 0 : i32
    %dma_start3A_287 = tpu.memref_slice %arg2[%add3A_274, %dma_start3A_286] : memref<8192x2048xf32, #tpu.memory_space<hbm>> -> memref<16x2048xf32, #tpu.memory_space<hbm>>
    tpu.enqueue_dma source(%dma_start3A_287 : memref<16x2048xf32, #tpu.memory_space<hbm>>) target(%dma_start3A_285 : memref<16x2048xf32, #tpu.memory_space<vmem>>) target_semaphore(%arg11 : memref<!tpu.dma_semaphore, #tpu.memory_space<semaphore_mem>>)
    %get3A_288 = arith.constant 64 : index
    %get3A_289 = tpu.vector_load %arg7[%get3A_288] {strides = array<i32>} : memref<256xi32, #tpu.memory_space<vmem>>, vector<16xi32>,
    %get3A_290 = vector.shape_cast %get3A_289 : vector<16xi32> to vector<16xi32>
    %get3A_291 = arith.constant 64 : index
    %get3A_292 = tpu.vector_load %arg8[%get3A_291] {strides = array<i32>} : memref<256xi32, #tpu.memory_space<vmem>>, vector<16xi32>,
    %get3A_293 = vector.shape_cast %get3A_292 : vector<16xi32> to vector<16xi32>
    %lt3A_294 = arith.constant 0 : i32
    %lt3A_295 = vector.broadcast %lt3A_294 : i32 to vector<16xi32>
    %lt3A_296 = arith.cmpi slt, %get3A_290, %lt3A_295 : vector<16xi32>
    %add3A_297 = arith.constant 16 : i32
    %add3A_298 = vector.broadcast %add3A_297 : i32 to vector<16xi32>
    %add3A_299 = arith.addi %get3A_290, %add3A_298 : vector<16xi32>
    %select_n3A_300 = arith.select %lt3A_296, %add3A_299, %get3A_290 : vector<16xi1>, vector<16xi32>
    %broadcast_in_dim3A_301 = vector.shape_cast %select_n3A_300 : vector<16xi32> to vector<16x1xi32>
    %gather3A_302 = vector.shape_cast %broadcast_in_dim3A_301 : vector<16x1xi32> to vector<16xi32>
    %gather3A_303 = tpu.dynamic_gather %get3A_48[%gather3A_302] in [0] : vector<16xi32>, vector<16xi32> -> vector<16xi32>
    %add3A_304 = arith.addi %gather3A_303, %get3A_293 : vector<16xi32>
    %dma_wait3A_305 = arith.constant 1 : i32
    %dma_wait3A_306 = arith.constant 0 : i32
    %dma_wait3A_307 = arith.constant 0 : i32
    %dma_wait3A_308 = tpu.memref_slice %arg10[%dma_wait3A_305, %dma_wait3A_306, %dma_wait3A_307] : memref<3x16x2048xf32, #tpu.memory_space<vmem>> -> memref<1x16x2048xf32, #tpu.memory_space<vmem>>
    %dma_wait3A_309 = tpu.memref_squeeze %dma_wait3A_308 : memref<1x16x2048xf32, #tpu.memory_space<vmem>> -> memref<16x2048xf32, #tpu.memory_space<vmem>>
    %dma_wait3A_310 = arith.constant 0 : i32
    %dma_wait3A_311 = tpu.memref_slice %arg2[%add3A_152, %dma_wait3A_310] : memref<8192x2048xf32, #tpu.memory_space<hbm>> -> memref<16x2048xf32, #tpu.memory_space<hbm>>
    %dma_wait3A_312 = arith.constant 0 : i32
    %dma_wait3A_313 = arith.constant 0 : i32
    %dma_wait3A_314 = tpu.memref_slice %arg10[%dma_wait3A_305, %dma_wait3A_312, %dma_wait3A_313] : memref<3x16x2048xf32, #tpu.memory_space<vmem>> -> memref<1x16x2048xf32, #tpu.memory_space<vmem>>
    %dma_wait3A_315 = tpu.memref_squeeze %dma_wait3A_314 : memref<1x16x2048xf32, #tpu.memory_space<vmem>> -> memref<16x2048xf32, #tpu.memory_space<vmem>>
    %dma_wait3A_316 = arith.constant 0 : i32
    %dma_wait3A_317 = tpu.memref_slice %arg2[%add3A_152, %dma_wait3A_316] : memref<8192x2048xf32, #tpu.memory_space<hbm>> -> memref<16x2048xf32, #tpu.memory_space<hbm>>
    tpu.wait_dma2 semaphore(%arg12 : memref<!tpu.dma_semaphore, #tpu.memory_space<semaphore_mem>>) src(%dma_wait3A_317 : memref<16x2048xf32, #tpu.memory_space<hbm>>) dst(%dma_wait3A_315 : memref<16x2048xf32, #tpu.memory_space<vmem>>)
    %dma_start3A_318 = arith.constant 1 : i32
    %dma_start3A_319 = arith.constant 0 : i32
    %dma_start3A_320 = arith.constant 0 : i32
    %dma_start3A_321 = tpu.memref_slice %arg10[%dma_start3A_318, %dma_start3A_319, %dma_start3A_320] : memref<3x16x2048xf32, #tpu.memory_space<vmem>> -> memref<1x16x2048xf32, #tpu.memory_space<vmem>>
    %dma_start3A_322 = tpu.memref_squeeze %dma_start3A_321 : memref<1x16x2048xf32, #tpu.memory_space<vmem>> -> memref<16x2048xf32, #tpu.memory_space<vmem>>
    %dma_start3A_323 = arith.constant 0 : i32
    %dma_start3A_324 = arith.constant 0 : i32
    %dma_start3A_325 = tpu.memref_slice %arg6[%dma_start3A_323, %dma_start3A_324] : memref<8192x2048xf32, #tpu.memory_space<hbm>> -> memref<8192x2048xf32, #tpu.memory_space<hbm>>
    tpu.enqueue_indirect_dma source(%dma_start3A_322 : memref<16x2048xf32, #tpu.memory_space<vmem>>) target(%dma_start3A_325 : memref<8192x2048xf32, #tpu.memory_space<hbm>>) offsets(%add3A_304 : vector<16xi32>) semaphore(%arg15 : memref<!tpu.dma_semaphore, #tpu.memory_space<semaphore_mem>>)
    %dma_wait3A_326 = arith.constant 1 : i32
    %dma_wait3A_327 = arith.constant 0 : i32
    %dma_wait3A_328 = arith.constant 0 : i32
    %dma_wait3A_329 = tpu.memref_slice %arg10[%dma_wait3A_326, %dma_wait3A_327, %dma_wait3A_328] : memref<3x16x2048xf32, #tpu.memory_space<vmem>> -> memref<1x16x2048xf32, #tpu.memory_space<vmem>>
    %dma_wait3A_330 = tpu.memref_squeeze %dma_wait3A_329 : memref<1x16x2048xf32, #tpu.memory_space<vmem>> -> memref<16x2048xf32, #tpu.memory_space<vmem>>
    %dma_wait3A_331 = arith.constant 0 : i32
    %dma_wait3A_332 = arith.constant 0 : i32
    %dma_wait3A_333 = tpu.memref_slice %arg6[%dma_wait3A_331, %dma_wait3A_332] : memref<8192x2048xf32, #tpu.memory_space<hbm>> -> memref<8192x2048xf32, #tpu.memory_space<hbm>>
    tpu.wait_indirect_dma semaphore(%arg15 : memref<!tpu.dma_semaphore, #tpu.memory_space<semaphore_mem>>) src(%dma_wait3A_330 : memref<16x2048xf32, #tpu.memory_space<vmem>>) dst(%dma_wait3A_333 : memref<8192x2048xf32, #tpu.memory_space<hbm>>)
    %add3A_334 = arith.constant 112 : i32
    %add3A_335 = arith.addi %mul3A_2, %add3A_334 : i32
    %dma_start3A_336 = arith.constant 1 : i32
    %dma_start3A_337 = arith.constant 0 : i32
    %dma_start3A_338 = arith.constant 0 : i32
    %dma_start3A_339 = tpu.memref_slice %arg10[%dma_start3A_336, %dma_start3A_337, %dma_start3A_338] : memref<3x16x2048xf32, #tpu.memory_space<vmem>> -> memref<1x16x2048xf32, #tpu.memory_space<vmem>>
    %dma_start3A_340 = tpu.memref_squeeze %dma_start3A_339 : memref<1x16x2048xf32, #tpu.memory_space<vmem>> -> memref<16x2048xf32, #tpu.memory_space<vmem>>
    %dma_start3A_341 = arith.constant 0 : i32
    %dma_start3A_342 = tpu.memref_slice %arg2[%add3A_335, %dma_start3A_341] : memref<8192x2048xf32, #tpu.memory_space<hbm>> -> memref<16x2048xf32, #tpu.memory_space<hbm>>
    %dma_start3A_343 = arith.constant 0 : i32
    %dma_start3A_344 = arith.constant 0 : i32
    %dma_start3A_345 = tpu.memref_slice %arg10[%dma_start3A_336, %dma_start3A_343, %dma_start3A_344] : memref<3x16x2048xf32, #tpu.memory_space<vmem>> -> memref<1x16x2048xf32, #tpu.memory_space<vmem>>
    %dma_start3A_346 = tpu.memref_squeeze %dma_start3A_345 : memref<1x16x2048xf32, #tpu.memory_space<vmem>> -> memref<16x2048xf32, #tpu.memory_space<vmem>>
    %dma_start3A_347 = arith.constant 0 : i32
    %dma_start3A_348 = tpu.memref_slice %arg2[%add3A_335, %dma_start3A_347] : memref<8192x2048xf32, #tpu.memory_space<hbm>> -> memref<16x2048xf32, #tpu.memory_space<hbm>>
    tpu.enqueue_dma source(%dma_start3A_348 : memref<16x2048xf32, #tpu.memory_space<hbm>>) target(%dma_start3A_346 : memref<16x2048xf32, #tpu.memory_space<vmem>>) target_semaphore(%arg12 : memref<!tpu.dma_semaphore, #tpu.memory_space<semaphore_mem>>)
    %get3A_349 = arith.constant 80 : index
    %get3A_350 = tpu.vector_load %arg7[%get3A_349] {strides = array<i32>} : memref<256xi32, #tpu.memory_space<vmem>>, vector<16xi32>,
    %get3A_351 = vector.shape_cast %get3A_350 : vector<16xi32> to vector<16xi32>
    %get3A_352 = arith.constant 80 : index
    %get3A_353 = tpu.vector_load %arg8[%get3A_352] {strides = array<i32>} : memref<256xi32, #tpu.memory_space<vmem>>, vector<16xi32>,
    %get3A_354 = vector.shape_cast %get3A_353 : vector<16xi32> to vector<16xi32>
    %lt3A_355 = arith.constant 0 : i32
    %lt3A_356 = vector.broadcast %lt3A_355 : i32 to vector<16xi32>
    %lt3A_357 = arith.cmpi slt, %get3A_351, %lt3A_356 : vector<16xi32>
    %add3A_358 = arith.constant 16 : i32
    %add3A_359 = vector.broadcast %add3A_358 : i32 to vector<16xi32>
    %add3A_360 = arith.addi %get3A_351, %add3A_359 : vector<16xi32>
    %select_n3A_361 = arith.select %lt3A_357, %add3A_360, %get3A_351 : vector<16xi1>, vector<16xi32>
    %broadcast_in_dim3A_362 = vector.shape_cast %select_n3A_361 : vector<16xi32> to vector<16x1xi32>
    %gather3A_363 = vector.shape_cast %broadcast_in_dim3A_362 : vector<16x1xi32> to vector<16xi32>
    %gather3A_364 = tpu.dynamic_gather %get3A_48[%gather3A_363] in [0] : vector<16xi32>, vector<16xi32> -> vector<16xi32>
    %add3A_365 = arith.addi %gather3A_364, %get3A_354 : vector<16xi32>
    %dma_wait3A_366 = arith.constant 2 : i32
    %dma_wait3A_367 = arith.constant 0 : i32
    %dma_wait3A_368 = arith.constant 0 : i32
    %dma_wait3A_369 = tpu.memref_slice %arg10[%dma_wait3A_366, %dma_wait3A_367, %dma_wait3A_368] : memref<3x16x2048xf32, #tpu.memory_space<vmem>> -> memref<1x16x2048xf32, #tpu.memory_space<vmem>>
    %dma_wait3A_370 = tpu.memref_squeeze %dma_wait3A_369 : memref<1x16x2048xf32, #tpu.memory_space<vmem>> -> memref<16x2048xf32, #tpu.memory_space<vmem>>
    %dma_wait3A_371 = arith.constant 0 : i32
    %dma_wait3A_372 = tpu.memref_slice %arg2[%add3A_213, %dma_wait3A_371] : memref<8192x2048xf32, #tpu.memory_space<hbm>> -> memref<16x2048xf32, #tpu.memory_space<hbm>>
    %dma_wait3A_373 = arith.constant 0 : i32
    %dma_wait3A_374 = arith.constant 0 : i32
    %dma_wait3A_375 = tpu.memref_slice %arg10[%dma_wait3A_366, %dma_wait3A_373, %dma_wait3A_374] : memref<3x16x2048xf32, #tpu.memory_space<vmem>> -> memref<1x16x2048xf32, #tpu.memory_space<vmem>>
    %dma_wait3A_376 = tpu.memref_squeeze %dma_wait3A_375 : memref<1x16x2048xf32, #tpu.memory_space<vmem>> -> memref<16x2048xf32, #tpu.memory_space<vmem>>
    %dma_wait3A_377 = arith.constant 0 : i32
    %dma_wait3A_378 = tpu.memref_slice %arg2[%add3A_213, %dma_wait3A_377] : memref<8192x2048xf32, #tpu.memory_space<hbm>> -> memref<16x2048xf32, #tpu.memory_space<hbm>>
    tpu.wait_dma2 semaphore(%arg13 : memref<!tpu.dma_semaphore, #tpu.memory_space<semaphore_mem>>) src(%dma_wait3A_378 : memref<16x2048xf32, #tpu.memory_space<hbm>>) dst(%dma_wait3A_376 : memref<16x2048xf32, #tpu.memory_space<vmem>>)
    %dma_start3A_379 = arith.constant 2 : i32
    %dma_start3A_380 = arith.constant 0 : i32
    %dma_start3A_381 = arith.constant 0 : i32
    %dma_start3A_382 = tpu.memref_slice %arg10[%dma_start3A_379, %dma_start3A_380, %dma_start3A_381] : memref<3x16x2048xf32, #tpu.memory_space<vmem>> -> memref<1x16x2048xf32, #tpu.memory_space<vmem>>
    %dma_start3A_383 = tpu.memref_squeeze %dma_start3A_382 : memref<1x16x2048xf32, #tpu.memory_space<vmem>> -> memref<16x2048xf32, #tpu.memory_space<vmem>>
    %dma_start3A_384 = arith.constant 0 : i32
    %dma_start3A_385 = arith.constant 0 : i32
    %dma_start3A_386 = tpu.memref_slice %arg6[%dma_start3A_384, %dma_start3A_385] : memref<8192x2048xf32, #tpu.memory_space<hbm>> -> memref<8192x2048xf32, #tpu.memory_space<hbm>>
    tpu.enqueue_indirect_dma source(%dma_start3A_383 : memref<16x2048xf32, #tpu.memory_space<vmem>>) target(%dma_start3A_386 : memref<8192x2048xf32, #tpu.memory_space<hbm>>) offsets(%add3A_365 : vector<16xi32>) semaphore(%arg16 : memref<!tpu.dma_semaphore, #tpu.memory_space<semaphore_mem>>)
    %dma_wait3A_387 = arith.constant 2 : i32
    %dma_wait3A_388 = arith.constant 0 : i32
    %dma_wait3A_389 = arith.constant 0 : i32
    %dma_wait3A_390 = tpu.memref_slice %arg10[%dma_wait3A_387, %dma_wait3A_388, %dma_wait3A_389] : memref<3x16x2048xf32, #tpu.memory_space<vmem>> -> memref<1x16x2048xf32, #tpu.memory_space<vmem>>
    %dma_wait3A_391 = tpu.memref_squeeze %dma_wait3A_390 : memref<1x16x2048xf32, #tpu.memory_space<vmem>> -> memref<16x2048xf32, #tpu.memory_space<vmem>>
    %dma_wait3A_392 = arith.constant 0 : i32
    %dma_wait3A_393 = arith.constant 0 : i32
    %dma_wait3A_394 = tpu.memref_slice %arg6[%dma_wait3A_392, %dma_wait3A_393] : memref<8192x2048xf32, #tpu.memory_space<hbm>> -> memref<8192x2048xf32, #tpu.memory_space<hbm>>
    tpu.wait_indirect_dma semaphore(%arg16 : memref<!tpu.dma_semaphore, #tpu.memory_space<semaphore_mem>>) src(%dma_wait3A_391 : memref<16x2048xf32, #tpu.memory_space<vmem>>) dst(%dma_wait3A_394 : memref<8192x2048xf32, #tpu.memory_space<hbm>>)
    %add3A_395 = arith.constant 128 : i32
    %add3A_396 = arith.addi %mul3A_2, %add3A_395 : i32
    %dma_start3A_397 = arith.constant 2 : i32
    %dma_start3A_398 = arith.constant 0 : i32
    %dma_start3A_399 = arith.constant 0 : i32
    %dma_start3A_400 = tpu.memref_slice %arg10[%dma_start3A_397, %dma_start3A_398, %dma_start3A_399] : memref<3x16x2048xf32, #tpu.memory_space<vmem>> -> memref<1x16x2048xf32, #tpu.memory_space<vmem>>
    %dma_start3A_401 = tpu.memref_squeeze %dma_start3A_400 : memref<1x16x2048xf32, #tpu.memory_space<vmem>> -> memref<16x2048xf32, #tpu.memory_space<vmem>>
    %dma_start3A_402 = arith.constant 0 : i32
    %dma_start3A_403 = tpu.memref_slice %arg2[%add3A_396, %dma_start3A_402] : memref<8192x2048xf32, #tpu.memory_space<hbm>> -> memref<16x2048xf32, #tpu.memory_space<hbm>>
    %dma_start3A_404 = arith.constant 0 : i32
    %dma_start3A_405 = arith.constant 0 : i32
    %dma_start3A_406 = tpu.memref_slice %arg10[%dma_start3A_397, %dma_start3A_404, %dma_start3A_405] : memref<3x16x2048xf32, #tpu.memory_space<vmem>> -> memref<1x16x2048xf32, #tpu.memory_space<vmem>>
    %dma_start3A_407 = tpu.memref_squeeze %dma_start3A_406 : memref<1x16x2048xf32, #tpu.memory_space<vmem>> -> memref<16x2048xf32, #tpu.memory_space<vmem>>
    %dma_start3A_408 = arith.constant 0 : i32
    %dma_start3A_409 = tpu.memref_slice %arg2[%add3A_396, %dma_start3A_408] : memref<8192x2048xf32, #tpu.memory_space<hbm>> -> memref<16x2048xf32, #tpu.memory_space<hbm>>
    tpu.enqueue_dma source(%dma_start3A_409 : memref<16x2048xf32, #tpu.memory_space<hbm>>) target(%dma_start3A_407 : memref<16x2048xf32, #tpu.memory_space<vmem>>) target_semaphore(%arg13 : memref<!tpu.dma_semaphore, #tpu.memory_space<semaphore_mem>>)
    %get3A_410 = arith.constant 96 : index
    %get3A_411 = tpu.vector_load %arg7[%get3A_410] {strides = array<i32>} : memref<256xi32, #tpu.memory_space<vmem>>, vector<16xi32>,
    %get3A_412 = vector.shape_cast %get3A_411 : vector<16xi32> to vector<16xi32>
    %get3A_413 = arith.constant 96 : index
    %get3A_414 = tpu.vector_load %arg8[%get3A_413] {strides = array<i32>} : memref<256xi32, #tpu.memory_space<vmem>>, vector<16xi32>,
    %get3A_415 = vector.shape_cast %get3A_414 : vector<16xi32> to vector<16xi32>
    %lt3A_416 = arith.constant 0 : i32
    %lt3A_417 = vector.broadcast %lt3A_416 : i32 to vector<16xi32>
    %lt3A_418 = arith.cmpi slt, %get3A_412, %lt3A_417 : vector<16xi32>
    %add3A_419 = arith.constant 16 : i32
    %add3A_420 = vector.broadcast %add3A_419 : i32 to vector<16xi32>
    %add3A_421 = arith.addi %get3A_412, %add3A_420 : vector<16xi32>
    %select_n3A_422 = arith.select %lt3A_418, %add3A_421, %get3A_412 : vector<16xi1>, vector<16xi32>
    %broadcast_in_dim3A_423 = vector.shape_cast %select_n3A_422 : vector<16xi32> to vector<16x1xi32>
    %gather3A_424 = vector.shape_cast %broadcast_in_dim3A_423 : vector<16x1xi32> to vector<16xi32>
    %gather3A_425 = tpu.dynamic_gather %get3A_48[%gather3A_424] in [0] : vector<16xi32>, vector<16xi32> -> vector<16xi32>
    %add3A_426 = arith.addi %gather3A_425, %get3A_415 : vector<16xi32>
    %dma_wait3A_427 = arith.constant 0 : i32
    %dma_wait3A_428 = arith.constant 0 : i32
    %dma_wait3A_429 = arith.constant 0 : i32
    %dma_wait3A_430 = tpu.memref_slice %arg10[%dma_wait3A_427, %dma_wait3A_428, %dma_wait3A_429] : memref<3x16x2048xf32, #tpu.memory_space<vmem>> -> memref<1x16x2048xf32, #tpu.memory_space<vmem>>
    %dma_wait3A_431 = tpu.memref_squeeze %dma_wait3A_430 : memref<1x16x2048xf32, #tpu.memory_space<vmem>> -> memref<16x2048xf32, #tpu.memory_space<vmem>>
    %dma_wait3A_432 = arith.constant 0 : i32
    %dma_wait3A_433 = tpu.memref_slice %arg2[%add3A_274, %dma_wait3A_432] : memref<8192x2048xf32, #tpu.memory_space<hbm>> -> memref<16x2048xf32, #tpu.memory_space<hbm>>
    %dma_wait3A_434 = arith.constant 0 : i32
    %dma_wait3A_435 = arith.constant 0 : i32
    %dma_wait3A_436 = tpu.memref_slice %arg10[%dma_wait3A_427, %dma_wait3A_434, %dma_wait3A_435] : memref<3x16x2048xf32, #tpu.memory_space<vmem>> -> memref<1x16x2048xf32, #tpu.memory_space<vmem>>
    %dma_wait3A_437 = tpu.memref_squeeze %dma_wait3A_436 : memref<1x16x2048xf32, #tpu.memory_space<vmem>> -> memref<16x2048xf32, #tpu.memory_space<vmem>>
    %dma_wait3A_438 = arith.constant 0 : i32
    %dma_wait3A_439 = tpu.memref_slice %arg2[%add3A_274, %dma_wait3A_438] : memref<8192x2048xf32, #tpu.memory_space<hbm>> -> memref<16x2048xf32, #tpu.memory_space<hbm>>
    tpu.wait_dma2 semaphore(%arg11 : memref<!tpu.dma_semaphore, #tpu.memory_space<semaphore_mem>>) src(%dma_wait3A_439 : memref<16x2048xf32, #tpu.memory_space<hbm>>) dst(%dma_wait3A_437 : memref<16x2048xf32, #tpu.memory_space<vmem>>)
    %dma_start3A_440 = arith.constant 0 : i32
    %dma_start3A_441 = arith.constant 0 : i32
    %dma_start3A_442 = arith.constant 0 : i32
    %dma_start3A_443 = tpu.memref_slice %arg10[%dma_start3A_440, %dma_start3A_441, %dma_start3A_442] : memref<3x16x2048xf32, #tpu.memory_space<vmem>> -> memref<1x16x2048xf32, #tpu.memory_space<vmem>>
    %dma_start3A_444 = tpu.memref_squeeze %dma_start3A_443 : memref<1x16x2048xf32, #tpu.memory_space<vmem>> -> memref<16x2048xf32, #tpu.memory_space<vmem>>
    %dma_start3A_445 = arith.constant 0 : i32
    %dma_start3A_446 = arith.constant 0 : i32
    %dma_start3A_447 = tpu.memref_slice %arg6[%dma_start3A_445, %dma_start3A_446] : memref<8192x2048xf32, #tpu.memory_space<hbm>> -> memref<8192x2048xf32, #tpu.memory_space<hbm>>
    tpu.enqueue_indirect_dma source(%dma_start3A_444 : memref<16x2048xf32, #tpu.memory_space<vmem>>) target(%dma_start3A_447 : memref<8192x2048xf32, #tpu.memory_space<hbm>>) offsets(%add3A_426 : vector<16xi32>) semaphore(%arg14 : memref<!tpu.dma_semaphore, #tpu.memory_space<semaphore_mem>>)
    %dma_wait3A_448 = arith.constant 0 : i32
    %dma_wait3A_449 = arith.constant 0 : i32
    %dma_wait3A_450 = arith.constant 0 : i32
    %dma_wait3A_451 = tpu.memref_slice %arg10[%dma_wait3A_448, %dma_wait3A_449, %dma_wait3A_450] : memref<3x16x2048xf32, #tpu.memory_space<vmem>> -> memref<1x16x2048xf32, #tpu.memory_space<vmem>>
    %dma_wait3A_452 = tpu.memref_squeeze %dma_wait3A_451 : memref<1x16x2048xf32, #tpu.memory_space<vmem>> -> memref<16x2048xf32, #tpu.memory_space<vmem>>
    %dma_wait3A_453 = arith.constant 0 : i32
    %dma_wait3A_454 = arith.constant 0 : i32
    %dma_wait3A_455 = tpu.memref_slice %arg6[%dma_wait3A_453, %dma_wait3A_454] : memref<8192x2048xf32, #tpu.memory_space<hbm>> -> memref<8192x2048xf32, #tpu.memory_space<hbm>>
    tpu.wait_indirect_dma semaphore(%arg14 : memref<!tpu.dma_semaphore, #tpu.memory_space<semaphore_mem>>) src(%dma_wait3A_452 : memref<16x2048xf32, #tpu.memory_space<vmem>>) dst(%dma_wait3A_455 : memref<8192x2048xf32, #tpu.memory_space<hbm>>)
    %add3A_456 = arith.constant 144 : i32
    %add3A_457 = arith.addi %mul3A_2, %add3A_456 : i32
    %dma_start3A_458 = arith.constant 0 : i32
    %dma_start3A_459 = arith.constant 0 : i32
    %dma_start3A_460 = arith.constant 0 : i32
    %dma_start3A_461 = tpu.memref_slice %arg10[%dma_start3A_458, %dma_start3A_459, %dma_start3A_460] : memref<3x16x2048xf32, #tpu.memory_space<vmem>> -> memref<1x16x2048xf32, #tpu.memory_space<vmem>>
    %dma_start3A_462 = tpu.memref_squeeze %dma_start3A_461 : memref<1x16x2048xf32, #tpu.memory_space<vmem>> -> memref<16x2048xf32, #tpu.memory_space<vmem>>
    %dma_start3A_463 = arith.constant 0 : i32
    %dma_start3A_464 = tpu.memref_slice %arg2[%add3A_457, %dma_start3A_463] : memref<8192x2048xf32, #tpu.memory_space<hbm>> -> memref<16x2048xf32, #tpu.memory_space<hbm>>
    %dma_start3A_465 = arith.constant 0 : i32
    %dma_start3A_466 = arith.constant 0 : i32
    %dma_start3A_467 = tpu.memref_slice %arg10[%dma_start3A_458, %dma_start3A_465, %dma_start3A_466] : memref<3x16x2048xf32, #tpu.memory_space<vmem>> -> memref<1x16x2048xf32, #tpu.memory_space<vmem>>
    %dma_start3A_468 = tpu.memref_squeeze %dma_start3A_467 : memref<1x16x2048xf32, #tpu.memory_space<vmem>> -> memref<16x2048xf32, #tpu.memory_space<vmem>>
    %dma_start3A_469 = arith.constant 0 : i32
    %dma_start3A_470 = tpu.memref_slice %arg2[%add3A_457, %dma_start3A_469] : memref<8192x2048xf32, #tpu.memory_space<hbm>> -> memref<16x2048xf32, #tpu.memory_space<hbm>>
    tpu.enqueue_dma source(%dma_start3A_470 : memref<16x2048xf32, #tpu.memory_space<hbm>>) target(%dma_start3A_468 : memref<16x2048xf32, #tpu.memory_space<vmem>>) target_semaphore(%arg11 : memref<!tpu.dma_semaphore, #tpu.memory_space<semaphore_mem>>)
    %get3A_471 = arith.constant 112 : index
    %get3A_472 = tpu.vector_load %arg7[%get3A_471] {strides = array<i32>} : memref<256xi32, #tpu.memory_space<vmem>>, vector<16xi32>,
    %get3A_473 = vector.shape_cast %get3A_472 : vector<16xi32> to vector<16xi32>
    %get3A_474 = arith.constant 112 : index
    %get3A_475 = tpu.vector_load %arg8[%get3A_474] {strides = array<i32>} : memref<256xi32, #tpu.memory_space<vmem>>, vector<16xi32>,
    %get3A_476 = vector.shape_cast %get3A_475 : vector<16xi32> to vector<16xi32>
    %lt3A_477 = arith.constant 0 : i32
    %lt3A_478 = vector.broadcast %lt3A_477 : i32 to vector<16xi32>
    %lt3A_479 = arith.cmpi slt, %get3A_473, %lt3A_478 : vector<16xi32>
    %add3A_480 = arith.constant 16 : i32
    %add3A_481 = vector.broadcast %add3A_480 : i32 to vector<16xi32>
    %add3A_482 = arith.addi %get3A_473, %add3A_481 : vector<16xi32>
    %select_n3A_483 = arith.select %lt3A_479, %add3A_482, %get3A_473 : vector<16xi1>, vector<16xi32>
    %broadcast_in_dim3A_484 = vector.shape_cast %select_n3A_483 : vector<16xi32> to vector<16x1xi32>
    %gather3A_485 = vector.shape_cast %broadcast_in_dim3A_484 : vector<16x1xi32> to vector<16xi32>
    %gather3A_486 = tpu.dynamic_gather %get3A_48[%gather3A_485] in [0] : vector<16xi32>, vector<16xi32> -> vector<16xi32>
    %add3A_487 = arith.addi %gather3A_486, %get3A_476 : vector<16xi32>
    %dma_wait3A_488 = arith.constant 1 : i32
    %dma_wait3A_489 = arith.constant 0 : i32
    %dma_wait3A_490 = arith.constant 0 : i32
    %dma_wait3A_491 = tpu.memref_slice %arg10[%dma_wait3A_488, %dma_wait3A_489, %dma_wait3A_490] : memref<3x16x2048xf32, #tpu.memory_space<vmem>> -> memref<1x16x2048xf32, #tpu.memory_space<vmem>>
    %dma_wait3A_492 = tpu.memref_squeeze %dma_wait3A_491 : memref<1x16x2048xf32, #tpu.memory_space<vmem>> -> memref<16x2048xf32, #tpu.memory_space<vmem>>
    %dma_wait3A_493 = arith.constant 0 : i32
    %dma_wait3A_494 = tpu.memref_slice %arg2[%add3A_335, %dma_wait3A_493] : memref<8192x2048xf32, #tpu.memory_space<hbm>> -> memref<16x2048xf32, #tpu.memory_space<hbm>>
    %dma_wait3A_495 = arith.constant 0 : i32
    %dma_wait3A_496 = arith.constant 0 : i32
    %dma_wait3A_497 = tpu.memref_slice %arg10[%dma_wait3A_488, %dma_wait3A_495, %dma_wait3A_496] : memref<3x16x2048xf32, #tpu.memory_space<vmem>> -> memref<1x16x2048xf32, #tpu.memory_space<vmem>>
    %dma_wait3A_498 = tpu.memref_squeeze %dma_wait3A_497 : memref<1x16x2048xf32, #tpu.memory_space<vmem>> -> memref<16x2048xf32, #tpu.memory_space<vmem>>
    %dma_wait3A_499 = arith.constant 0 : i32
    %dma_wait3A_500 = tpu.memref_slice %arg2[%add3A_335, %dma_wait3A_499] : memref<8192x2048xf32, #tpu.memory_space<hbm>> -> memref<16x2048xf32, #tpu.memory_space<hbm>>
    tpu.wait_dma2 semaphore(%arg12 : memref<!tpu.dma_semaphore, #tpu.memory_space<semaphore_mem>>) src(%dma_wait3A_500 : memref<16x2048xf32, #tpu.memory_space<hbm>>) dst(%dma_wait3A_498 : memref<16x2048xf32, #tpu.memory_space<vmem>>)
    %dma_start3A_501 = arith.constant 1 : i32
    %dma_start3A_502 = arith.constant 0 : i32
    %dma_start3A_503 = arith.constant 0 : i32
    %dma_start3A_504 = tpu.memref_slice %arg10[%dma_start3A_501, %dma_start3A_502, %dma_start3A_503] : memref<3x16x2048xf32, #tpu.memory_space<vmem>> -> memref<1x16x2048xf32, #tpu.memory_space<vmem>>
    %dma_start3A_505 = tpu.memref_squeeze %dma_start3A_504 : memref<1x16x2048xf32, #tpu.memory_space<vmem>> -> memref<16x2048xf32, #tpu.memory_space<vmem>>
    %dma_start3A_506 = arith.constant 0 : i32
    %dma_start3A_507 = arith.constant 0 : i32
    %dma_start3A_508 = tpu.memref_slice %arg6[%dma_start3A_506, %dma_start3A_507] : memref<8192x2048xf32, #tpu.memory_space<hbm>> -> memref<8192x2048xf32, #tpu.memory_space<hbm>>
    tpu.enqueue_indirect_dma source(%dma_start3A_505 : memref<16x2048xf32, #tpu.memory_space<vmem>>) target(%dma_start3A_508 : memref<8192x2048xf32, #tpu.memory_space<hbm>>) offsets(%add3A_487 : vector<16xi32>) semaphore(%arg15 : memref<!tpu.dma_semaphore, #tpu.memory_space<semaphore_mem>>)
    %dma_wait3A_509 = arith.constant 1 : i32
    %dma_wait3A_510 = arith.constant 0 : i32
    %dma_wait3A_511 = arith.constant 0 : i32
    %dma_wait3A_512 = tpu.memref_slice %arg10[%dma_wait3A_509, %dma_wait3A_510, %dma_wait3A_511] : memref<3x16x2048xf32, #tpu.memory_space<vmem>> -> memref<1x16x2048xf32, #tpu.memory_space<vmem>>
    %dma_wait3A_513 = tpu.memref_squeeze %dma_wait3A_512 : memref<1x16x2048xf32, #tpu.memory_space<vmem>> -> memref<16x2048xf32, #tpu.memory_space<vmem>>
    %dma_wait3A_514 = arith.constant 0 : i32
    %dma_wait3A_515 = arith.constant 0 : i32
    %dma_wait3A_516 = tpu.memref_slice %arg6[%dma_wait3A_514, %dma_wait3A_515] : memref<8192x2048xf32, #tpu.memory_space<hbm>> -> memref<8192x2048xf32, #tpu.memory_space<hbm>>
    tpu.wait_indirect_dma semaphore(%arg15 : memref<!tpu.dma_semaphore, #tpu.memory_space<semaphore_mem>>) src(%dma_wait3A_513 : memref<16x2048xf32, #tpu.memory_space<vmem>>) dst(%dma_wait3A_516 : memref<8192x2048xf32, #tpu.memory_space<hbm>>)
    %add3A_517 = arith.constant 160 : i32
    %add3A_518 = arith.addi %mul3A_2, %add3A_517 : i32
    %dma_start3A_519 = arith.constant 1 : i32
    %dma_start3A_520 = arith.constant 0 : i32
    %dma_start3A_521 = arith.constant 0 : i32
    %dma_start3A_522 = tpu.memref_slice %arg10[%dma_start3A_519, %dma_start3A_520, %dma_start3A_521] : memref<3x16x2048xf32, #tpu.memory_space<vmem>> -> memref<1x16x2048xf32, #tpu.memory_space<vmem>>
    %dma_start3A_523 = tpu.memref_squeeze %dma_start3A_522 : memref<1x16x2048xf32, #tpu.memory_space<vmem>> -> memref<16x2048xf32, #tpu.memory_space<vmem>>
    %dma_start3A_524 = arith.constant 0 : i32
    %dma_start3A_525 = tpu.memref_slice %arg2[%add3A_518, %dma_start3A_524] : memref<8192x2048xf32, #tpu.memory_space<hbm>> -> memref<16x2048xf32, #tpu.memory_space<hbm>>
    %dma_start3A_526 = arith.constant 0 : i32
    %dma_start3A_527 = arith.constant 0 : i32
    %dma_start3A_528 = tpu.memref_slice %arg10[%dma_start3A_519, %dma_start3A_526, %dma_start3A_527] : memref<3x16x2048xf32, #tpu.memory_space<vmem>> -> memref<1x16x2048xf32, #tpu.memory_space<vmem>>
    %dma_start3A_529 = tpu.memref_squeeze %dma_start3A_528 : memref<1x16x2048xf32, #tpu.memory_space<vmem>> -> memref<16x2048xf32, #tpu.memory_space<vmem>>
    %dma_start3A_530 = arith.constant 0 : i32
    %dma_start3A_531 = tpu.memref_slice %arg2[%add3A_518, %dma_start3A_530] : memref<8192x2048xf32, #tpu.memory_space<hbm>> -> memref<16x2048xf32, #tpu.memory_space<hbm>>
    tpu.enqueue_dma source(%dma_start3A_531 : memref<16x2048xf32, #tpu.memory_space<hbm>>) target(%dma_start3A_529 : memref<16x2048xf32, #tpu.memory_space<vmem>>) target_semaphore(%arg12 : memref<!tpu.dma_semaphore, #tpu.memory_space<semaphore_mem>>)
    %get3A_532 = arith.constant 128 : index
    %get3A_533 = tpu.vector_load %arg7[%get3A_532] {strides = array<i32>} : memref<256xi32, #tpu.memory_space<vmem>>, vector<16xi32>,
    %get3A_534 = vector.shape_cast %get3A_533 : vector<16xi32> to vector<16xi32>
    %get3A_535 = arith.constant 128 : index
    %get3A_536 = tpu.vector_load %arg8[%get3A_535] {strides = array<i32>} : memref<256xi32, #tpu.memory_space<vmem>>, vector<16xi32>,
    %get3A_537 = vector.shape_cast %get3A_536 : vector<16xi32> to vector<16xi32>
    %lt3A_538 = arith.constant 0 : i32
    %lt3A_539 = vector.broadcast %lt3A_538 : i32 to vector<16xi32>
    %lt3A_540 = arith.cmpi slt, %get3A_534, %lt3A_539 : vector<16xi32>
    %add3A_541 = arith.constant 16 : i32
    %add3A_542 = vector.broadcast %add3A_541 : i32 to vector<16xi32>
    %add3A_543 = arith.addi %get3A_534, %add3A_542 : vector<16xi32>
    %select_n3A_544 = arith.select %lt3A_540, %add3A_543, %get3A_534 : vector<16xi1>, vector<16xi32>
    %broadcast_in_dim3A_545 = vector.shape_cast %select_n3A_544 : vector<16xi32> to vector<16x1xi32>
    %gather3A_546 = vector.shape_cast %broadcast_in_dim3A_545 : vector<16x1xi32> to vector<16xi32>
    %gather3A_547 = tpu.dynamic_gather %get3A_48[%gather3A_546] in [0] : vector<16xi32>, vector<16xi32> -> vector<16xi32>
    %add3A_548 = arith.addi %gather3A_547, %get3A_537 : vector<16xi32>
    %dma_wait3A_549 = arith.constant 2 : i32
    %dma_wait3A_550 = arith.constant 0 : i32
    %dma_wait3A_551 = arith.constant 0 : i32
    %dma_wait3A_552 = tpu.memref_slice %arg10[%dma_wait3A_549, %dma_wait3A_550, %dma_wait3A_551] : memref<3x16x2048xf32, #tpu.memory_space<vmem>> -> memref<1x16x2048xf32, #tpu.memory_space<vmem>>
    %dma_wait3A_553 = tpu.memref_squeeze %dma_wait3A_552 : memref<1x16x2048xf32, #tpu.memory_space<vmem>> -> memref<16x2048xf32, #tpu.memory_space<vmem>>
    %dma_wait3A_554 = arith.constant 0 : i32
    %dma_wait3A_555 = tpu.memref_slice %arg2[%add3A_396, %dma_wait3A_554] : memref<8192x2048xf32, #tpu.memory_space<hbm>> -> memref<16x2048xf32, #tpu.memory_space<hbm>>
    %dma_wait3A_556 = arith.constant 0 : i32
    %dma_wait3A_557 = arith.constant 0 : i32
    %dma_wait3A_558 = tpu.memref_slice %arg10[%dma_wait3A_549, %dma_wait3A_556, %dma_wait3A_557] : memref<3x16x2048xf32, #tpu.memory_space<vmem>> -> memref<1x16x2048xf32, #tpu.memory_space<vmem>>
    %dma_wait3A_559 = tpu.memref_squeeze %dma_wait3A_558 : memref<1x16x2048xf32, #tpu.memory_space<vmem>> -> memref<16x2048xf32, #tpu.memory_space<vmem>>
    %dma_wait3A_560 = arith.constant 0 : i32
    %dma_wait3A_561 = tpu.memref_slice %arg2[%add3A_396, %dma_wait3A_560] : memref<8192x2048xf32, #tpu.memory_space<hbm>> -> memref<16x2048xf32, #tpu.memory_space<hbm>>
    tpu.wait_dma2 semaphore(%arg13 : memref<!tpu.dma_semaphore, #tpu.memory_space<semaphore_mem>>) src(%dma_wait3A_561 : memref<16x2048xf32, #tpu.memory_space<hbm>>) dst(%dma_wait3A_559 : memref<16x2048xf32, #tpu.memory_space<vmem>>)
    %dma_start3A_562 = arith.constant 2 : i32
    %dma_start3A_563 = arith.constant 0 : i32
    %dma_start3A_564 = arith.constant 0 : i32
    %dma_start3A_565 = tpu.memref_slice %arg10[%dma_start3A_562, %dma_start3A_563, %dma_start3A_564] : memref<3x16x2048xf32, #tpu.memory_space<vmem>> -> memref<1x16x2048xf32, #tpu.memory_space<vmem>>
    %dma_start3A_566 = tpu.memref_squeeze %dma_start3A_565 : memref<1x16x2048xf32, #tpu.memory_space<vmem>> -> memref<16x2048xf32, #tpu.memory_space<vmem>>
    %dma_start3A_567 = arith.constant 0 : i32
    %dma_start3A_568 = arith.constant 0 : i32
    %dma_start3A_569 = tpu.memref_slice %arg6[%dma_start3A_567, %dma_start3A_568] : memref<8192x2048xf32, #tpu.memory_space<hbm>> -> memref<8192x2048xf32, #tpu.memory_space<hbm>>
    tpu.enqueue_indirect_dma source(%dma_start3A_566 : memref<16x2048xf32, #tpu.memory_space<vmem>>) target(%dma_start3A_569 : memref<8192x2048xf32, #tpu.memory_space<hbm>>) offsets(%add3A_548 : vector<16xi32>) semaphore(%arg16 : memref<!tpu.dma_semaphore, #tpu.memory_space<semaphore_mem>>)
    %dma_wait3A_570 = arith.constant 2 : i32
    %dma_wait3A_571 = arith.constant 0 : i32
    %dma_wait3A_572 = arith.constant 0 : i32
    %dma_wait3A_573 = tpu.memref_slice %arg10[%dma_wait3A_570, %dma_wait3A_571, %dma_wait3A_572] : memref<3x16x2048xf32, #tpu.memory_space<vmem>> -> memref<1x16x2048xf32, #tpu.memory_space<vmem>>
    %dma_wait3A_574 = tpu.memref_squeeze %dma_wait3A_573 : memref<1x16x2048xf32, #tpu.memory_space<vmem>> -> memref<16x2048xf32, #tpu.memory_space<vmem>>
    %dma_wait3A_575 = arith.constant 0 : i32
    %dma_wait3A_576 = arith.constant 0 : i32
    %dma_wait3A_577 = tpu.memref_slice %arg6[%dma_wait3A_575, %dma_wait3A_576] : memref<8192x2048xf32, #tpu.memory_space<hbm>> -> memref<8192x2048xf32, #tpu.memory_space<hbm>>
    tpu.wait_indirect_dma semaphore(%arg16 : memref<!tpu.dma_semaphore, #tpu.memory_space<semaphore_mem>>) src(%dma_wait3A_574 : memref<16x2048xf32, #tpu.memory_space<vmem>>) dst(%dma_wait3A_577 : memref<8192x2048xf32, #tpu.memory_space<hbm>>)
    %add3A_578 = arith.constant 176 : i32
    %add3A_579 = arith.addi %mul3A_2, %add3A_578 : i32
    %dma_start3A_580 = arith.constant 2 : i32
    %dma_start3A_581 = arith.constant 0 : i32
    %dma_start3A_582 = arith.constant 0 : i32
    %dma_start3A_583 = tpu.memref_slice %arg10[%dma_start3A_580, %dma_start3A_581, %dma_start3A_582] : memref<3x16x2048xf32, #tpu.memory_space<vmem>> -> memref<1x16x2048xf32, #tpu.memory_space<vmem>>
    %dma_start3A_584 = tpu.memref_squeeze %dma_start3A_583 : memref<1x16x2048xf32, #tpu.memory_space<vmem>> -> memref<16x2048xf32, #tpu.memory_space<vmem>>
    %dma_start3A_585 = arith.constant 0 : i32
    %dma_start3A_586 = tpu.memref_slice %arg2[%add3A_579, %dma_start3A_585] : memref<8192x2048xf32, #tpu.memory_space<hbm>> -> memref<16x2048xf32, #tpu.memory_space<hbm>>
    %dma_start3A_587 = arith.constant 0 : i32
    %dma_start3A_588 = arith.constant 0 : i32
    %dma_start3A_589 = tpu.memref_slice %arg10[%dma_start3A_580, %dma_start3A_587, %dma_start3A_588] : memref<3x16x2048xf32, #tpu.memory_space<vmem>> -> memref<1x16x2048xf32, #tpu.memory_space<vmem>>
    %dma_start3A_590 = tpu.memref_squeeze %dma_start3A_589 : memref<1x16x2048xf32, #tpu.memory_space<vmem>> -> memref<16x2048xf32, #tpu.memory_space<vmem>>
    %dma_start3A_591 = arith.constant 0 : i32
    %dma_start3A_592 = tpu.memref_slice %arg2[%add3A_579, %dma_start3A_591] : memref<8192x2048xf32, #tpu.memory_space<hbm>> -> memref<16x2048xf32, #tpu.memory_space<hbm>>
    tpu.enqueue_dma source(%dma_start3A_592 : memref<16x2048xf32, #tpu.memory_space<hbm>>) target(%dma_start3A_590 : memref<16x2048xf32, #tpu.memory_space<vmem>>) target_semaphore(%arg13 : memref<!tpu.dma_semaphore, #tpu.memory_space<semaphore_mem>>)
    %get3A_593 = arith.constant 144 : index
    %get3A_594 = tpu.vector_load %arg7[%get3A_593] {strides = array<i32>} : memref<256xi32, #tpu.memory_space<vmem>>, vector<16xi32>,
    %get3A_595 = vector.shape_cast %get3A_594 : vector<16xi32> to vector<16xi32>
    %get3A_596 = arith.constant 144 : index
    %get3A_597 = tpu.vector_load %arg8[%get3A_596] {strides = array<i32>} : memref<256xi32, #tpu.memory_space<vmem>>, vector<16xi32>,
    %get3A_598 = vector.shape_cast %get3A_597 : vector<16xi32> to vector<16xi32>
    %lt3A_599 = arith.constant 0 : i32
    %lt3A_600 = vector.broadcast %lt3A_599 : i32 to vector<16xi32>
    %lt3A_601 = arith.cmpi slt, %get3A_595, %lt3A_600 : vector<16xi32>
    %add3A_602 = arith.constant 16 : i32
    %add3A_603 = vector.broadcast %add3A_602 : i32 to vector<16xi32>
    %add3A_604 = arith.addi %get3A_595, %add3A_603 : vector<16xi32>
    %select_n3A_605 = arith.select %lt3A_601, %add3A_604, %get3A_595 : vector<16xi1>, vector<16xi32>
    %broadcast_in_dim3A_606 = vector.shape_cast %select_n3A_605 : vector<16xi32> to vector<16x1xi32>
    %gather3A_607 = vector.shape_cast %broadcast_in_dim3A_606 : vector<16x1xi32> to vector<16xi32>
    %gather3A_608 = tpu.dynamic_gather %get3A_48[%gather3A_607] in [0] : vector<16xi32>, vector<16xi32> -> vector<16xi32>
    %add3A_609 = arith.addi %gather3A_608, %get3A_598 : vector<16xi32>
    %dma_wait3A_610 = arith.constant 0 : i32
    %dma_wait3A_611 = arith.constant 0 : i32
    %dma_wait3A_612 = arith.constant 0 : i32
    %dma_wait3A_613 = tpu.memref_slice %arg10[%dma_wait3A_610, %dma_wait3A_611, %dma_wait3A_612] : memref<3x16x2048xf32, #tpu.memory_space<vmem>> -> memref<1x16x2048xf32, #tpu.memory_space<vmem>>
    %dma_wait3A_614 = tpu.memref_squeeze %dma_wait3A_613 : memref<1x16x2048xf32, #tpu.memory_space<vmem>> -> memref<16x2048xf32, #tpu.memory_space<vmem>>
    %dma_wait3A_615 = arith.constant 0 : i32
    %dma_wait3A_616 = tpu.memref_slice %arg2[%add3A_457, %dma_wait3A_615] : memref<8192x2048xf32, #tpu.memory_space<hbm>> -> memref<16x2048xf32, #tpu.memory_space<hbm>>
    %dma_wait3A_617 = arith.constant 0 : i32
    %dma_wait3A_618 = arith.constant 0 : i32
    %dma_wait3A_619 = tpu.memref_slice %arg10[%dma_wait3A_610, %dma_wait3A_617, %dma_wait3A_618] : memref<3x16x2048xf32, #tpu.memory_space<vmem>> -> memref<1x16x2048xf32, #tpu.memory_space<vmem>>
    %dma_wait3A_620 = tpu.memref_squeeze %dma_wait3A_619 : memref<1x16x2048xf32, #tpu.memory_space<vmem>> -> memref<16x2048xf32, #tpu.memory_space<vmem>>
    %dma_wait3A_621 = arith.constant 0 : i32
    %dma_wait3A_622 = tpu.memref_slice %arg2[%add3A_457, %dma_wait3A_621] : memref<8192x2048xf32, #tpu.memory_space<hbm>> -> memref<16x2048xf32, #tpu.memory_space<hbm>>
    tpu.wait_dma2 semaphore(%arg11 : memref<!tpu.dma_semaphore, #tpu.memory_space<semaphore_mem>>) src(%dma_wait3A_622 : memref<16x2048xf32, #tpu.memory_space<hbm>>) dst(%dma_wait3A_620 : memref<16x2048xf32, #tpu.memory_space<vmem>>)
    %dma_start3A_623 = arith.constant 0 : i32
    %dma_start3A_624 = arith.constant 0 : i32
    %dma_start3A_625 = arith.constant 0 : i32
    %dma_start3A_626 = tpu.memref_slice %arg10[%dma_start3A_623, %dma_start3A_624, %dma_start3A_625] : memref<3x16x2048xf32, #tpu.memory_space<vmem>> -> memref<1x16x2048xf32, #tpu.memory_space<vmem>>
    %dma_start3A_627 = tpu.memref_squeeze %dma_start3A_626 : memref<1x16x2048xf32, #tpu.memory_space<vmem>> -> memref<16x2048xf32, #tpu.memory_space<vmem>>
    %dma_start3A_628 = arith.constant 0 : i32
    %dma_start3A_629 = arith.constant 0 : i32
    %dma_start3A_630 = tpu.memref_slice %arg6[%dma_start3A_628, %dma_start3A_629] : memref<8192x2048xf32, #tpu.memory_space<hbm>> -> memref<8192x2048xf32, #tpu.memory_space<hbm>>
    tpu.enqueue_indirect_dma source(%dma_start3A_627 : memref<16x2048xf32, #tpu.memory_space<vmem>>) target(%dma_start3A_630 : memref<8192x2048xf32, #tpu.memory_space<hbm>>) offsets(%add3A_609 : vector<16xi32>) semaphore(%arg14 : memref<!tpu.dma_semaphore, #tpu.memory_space<semaphore_mem>>)
    %dma_wait3A_631 = arith.constant 0 : i32
    %dma_wait3A_632 = arith.constant 0 : i32
    %dma_wait3A_633 = arith.constant 0 : i32
    %dma_wait3A_634 = tpu.memref_slice %arg10[%dma_wait3A_631, %dma_wait3A_632, %dma_wait3A_633] : memref<3x16x2048xf32, #tpu.memory_space<vmem>> -> memref<1x16x2048xf32, #tpu.memory_space<vmem>>
    %dma_wait3A_635 = tpu.memref_squeeze %dma_wait3A_634 : memref<1x16x2048xf32, #tpu.memory_space<vmem>> -> memref<16x2048xf32, #tpu.memory_space<vmem>>
    %dma_wait3A_636 = arith.constant 0 : i32
    %dma_wait3A_637 = arith.constant 0 : i32
    %dma_wait3A_638 = tpu.memref_slice %arg6[%dma_wait3A_636, %dma_wait3A_637] : memref<8192x2048xf32, #tpu.memory_space<hbm>> -> memref<8192x2048xf32, #tpu.memory_space<hbm>>
    tpu.wait_indirect_dma semaphore(%arg14 : memref<!tpu.dma_semaphore, #tpu.memory_space<semaphore_mem>>) src(%dma_wait3A_635 : memref<16x2048xf32, #tpu.memory_space<vmem>>) dst(%dma_wait3A_638 : memref<8192x2048xf32, #tpu.memory_space<hbm>>)
    %add3A_639 = arith.constant 192 : i32
    %add3A_640 = arith.addi %mul3A_2, %add3A_639 : i32
    %dma_start3A_641 = arith.constant 0 : i32
    %dma_start3A_642 = arith.constant 0 : i32
    %dma_start3A_643 = arith.constant 0 : i32
    %dma_start3A_644 = tpu.memref_slice %arg10[%dma_start3A_641, %dma_start3A_642, %dma_start3A_643] : memref<3x16x2048xf32, #tpu.memory_space<vmem>> -> memref<1x16x2048xf32, #tpu.memory_space<vmem>>
    %dma_start3A_645 = tpu.memref_squeeze %dma_start3A_644 : memref<1x16x2048xf32, #tpu.memory_space<vmem>> -> memref<16x2048xf32, #tpu.memory_space<vmem>>
    %dma_start3A_646 = arith.constant 0 : i32
    %dma_start3A_647 = tpu.memref_slice %arg2[%add3A_640, %dma_start3A_646] : memref<8192x2048xf32, #tpu.memory_space<hbm>> -> memref<16x2048xf32, #tpu.memory_space<hbm>>
    %dma_start3A_648 = arith.constant 0 : i32
    %dma_start3A_649 = arith.constant 0 : i32
    %dma_start3A_650 = tpu.memref_slice %arg10[%dma_start3A_641, %dma_start3A_648, %dma_start3A_649] : memref<3x16x2048xf32, #tpu.memory_space<vmem>> -> memref<1x16x2048xf32, #tpu.memory_space<vmem>>
    %dma_start3A_651 = tpu.memref_squeeze %dma_start3A_650 : memref<1x16x2048xf32, #tpu.memory_space<vmem>> -> memref<16x2048xf32, #tpu.memory_space<vmem>>
    %dma_start3A_652 = arith.constant 0 : i32
    %dma_start3A_653 = tpu.memref_slice %arg2[%add3A_640, %dma_start3A_652] : memref<8192x2048xf32, #tpu.memory_space<hbm>> -> memref<16x2048xf32, #tpu.memory_space<hbm>>
    tpu.enqueue_dma source(%dma_start3A_653 : memref<16x2048xf32, #tpu.memory_space<hbm>>) target(%dma_start3A_651 : memref<16x2048xf32, #tpu.memory_space<vmem>>) target_semaphore(%arg11 : memref<!tpu.dma_semaphore, #tpu.memory_space<semaphore_mem>>)
    %get3A_654 = arith.constant 160 : index
    %get3A_655 = tpu.vector_load %arg7[%get3A_654] {strides = array<i32>} : memref<256xi32, #tpu.memory_space<vmem>>, vector<16xi32>,
    %get3A_656 = vector.shape_cast %get3A_655 : vector<16xi32> to vector<16xi32>
    %get3A_657 = arith.constant 160 : index
    %get3A_658 = tpu.vector_load %arg8[%get3A_657] {strides = array<i32>} : memref<256xi32, #tpu.memory_space<vmem>>, vector<16xi32>,
    %get3A_659 = vector.shape_cast %get3A_658 : vector<16xi32> to vector<16xi32>
    %lt3A_660 = arith.constant 0 : i32
    %lt3A_661 = vector.broadcast %lt3A_660 : i32 to vector<16xi32>
    %lt3A_662 = arith.cmpi slt, %get3A_656, %lt3A_661 : vector<16xi32>
    %add3A_663 = arith.constant 16 : i32
    %add3A_664 = vector.broadcast %add3A_663 : i32 to vector<16xi32>
    %add3A_665 = arith.addi %get3A_656, %add3A_664 : vector<16xi32>
    %select_n3A_666 = arith.select %lt3A_662, %add3A_665, %get3A_656 : vector<16xi1>, vector<16xi32>
    %broadcast_in_dim3A_667 = vector.shape_cast %select_n3A_666 : vector<16xi32> to vector<16x1xi32>
    %gather3A_668 = vector.shape_cast %broadcast_in_dim3A_667 : vector<16x1xi32> to vector<16xi32>
    %gather3A_669 = tpu.dynamic_gather %get3A_48[%gather3A_668] in [0] : vector<16xi32>, vector<16xi32> -> vector<16xi32>
    %add3A_670 = arith.addi %gather3A_669, %get3A_659 : vector<16xi32>
    %dma_wait3A_671 = arith.constant 1 : i32
    %dma_wait3A_672 = arith.constant 0 : i32
    %dma_wait3A_673 = arith.constant 0 : i32
    %dma_wait3A_674 = tpu.memref_slice %arg10[%dma_wait3A_671, %dma_wait3A_672, %dma_wait3A_673] : memref<3x16x2048xf32, #tpu.memory_space<vmem>> -> memref<1x16x2048xf32, #tpu.memory_space<vmem>>
    %dma_wait3A_675 = tpu.memref_squeeze %dma_wait3A_674 : memref<1x16x2048xf32, #tpu.memory_space<vmem>> -> memref<16x2048xf32, #tpu.memory_space<vmem>>
    %dma_wait3A_676 = arith.constant 0 : i32
    %dma_wait3A_677 = tpu.memref_slice %arg2[%add3A_518, %dma_wait3A_676] : memref<8192x2048xf32, #tpu.memory_space<hbm>> -> memref<16x2048xf32, #tpu.memory_space<hbm>>
    %dma_wait3A_678 = arith.constant 0 : i32
    %dma_wait3A_679 = arith.constant 0 : i32
    %dma_wait3A_680 = tpu.memref_slice %arg10[%dma_wait3A_671, %dma_wait3A_678, %dma_wait3A_679] : memref<3x16x2048xf32, #tpu.memory_space<vmem>> -> memref<1x16x2048xf32, #tpu.memory_space<vmem>>
    %dma_wait3A_681 = tpu.memref_squeeze %dma_wait3A_680 : memref<1x16x2048xf32, #tpu.memory_space<vmem>> -> memref<16x2048xf32, #tpu.memory_space<vmem>>
    %dma_wait3A_682 = arith.constant 0 : i32
    %dma_wait3A_683 = tpu.memref_slice %arg2[%add3A_518, %dma_wait3A_682] : memref<8192x2048xf32, #tpu.memory_space<hbm>> -> memref<16x2048xf32, #tpu.memory_space<hbm>>
    tpu.wait_dma2 semaphore(%arg12 : memref<!tpu.dma_semaphore, #tpu.memory_space<semaphore_mem>>) src(%dma_wait3A_683 : memref<16x2048xf32, #tpu.memory_space<hbm>>) dst(%dma_wait3A_681 : memref<16x2048xf32, #tpu.memory_space<vmem>>)
    %dma_start3A_684 = arith.constant 1 : i32
    %dma_start3A_685 = arith.constant 0 : i32
    %dma_start3A_686 = arith.constant 0 : i32
    %dma_start3A_687 = tpu.memref_slice %arg10[%dma_start3A_684, %dma_start3A_685, %dma_start3A_686] : memref<3x16x2048xf32, #tpu.memory_space<vmem>> -> memref<1x16x2048xf32, #tpu.memory_space<vmem>>
    %dma_start3A_688 = tpu.memref_squeeze %dma_start3A_687 : memref<1x16x2048xf32, #tpu.memory_space<vmem>> -> memref<16x2048xf32, #tpu.memory_space<vmem>>
    %dma_start3A_689 = arith.constant 0 : i32
    %dma_start3A_690 = arith.constant 0 : i32
    %dma_start3A_691 = tpu.memref_slice %arg6[%dma_start3A_689, %dma_start3A_690] : memref<8192x2048xf32, #tpu.memory_space<hbm>> -> memref<8192x2048xf32, #tpu.memory_space<hbm>>
    tpu.enqueue_indirect_dma source(%dma_start3A_688 : memref<16x2048xf32, #tpu.memory_space<vmem>>) target(%dma_start3A_691 : memref<8192x2048xf32, #tpu.memory_space<hbm>>) offsets(%add3A_670 : vector<16xi32>) semaphore(%arg15 : memref<!tpu.dma_semaphore, #tpu.memory_space<semaphore_mem>>)
    %dma_wait3A_692 = arith.constant 1 : i32
    %dma_wait3A_693 = arith.constant 0 : i32
    %dma_wait3A_694 = arith.constant 0 : i32
    %dma_wait3A_695 = tpu.memref_slice %arg10[%dma_wait3A_692, %dma_wait3A_693, %dma_wait3A_694] : memref<3x16x2048xf32, #tpu.memory_space<vmem>> -> memref<1x16x2048xf32, #tpu.memory_space<vmem>>
    %dma_wait3A_696 = tpu.memref_squeeze %dma_wait3A_695 : memref<1x16x2048xf32, #tpu.memory_space<vmem>> -> memref<16x2048xf32, #tpu.memory_space<vmem>>
    %dma_wait3A_697 = arith.constant 0 : i32
    %dma_wait3A_698 = arith.constant 0 : i32
    %dma_wait3A_699 = tpu.memref_slice %arg6[%dma_wait3A_697, %dma_wait3A_698] : memref<8192x2048xf32, #tpu.memory_space<hbm>> -> memref<8192x2048xf32, #tpu.memory_space<hbm>>
    tpu.wait_indirect_dma semaphore(%arg15 : memref<!tpu.dma_semaphore, #tpu.memory_space<semaphore_mem>>) src(%dma_wait3A_696 : memref<16x2048xf32, #tpu.memory_space<vmem>>) dst(%dma_wait3A_699 : memref<8192x2048xf32, #tpu.memory_space<hbm>>)
    %add3A_700 = arith.constant 208 : i32
    %add3A_701 = arith.addi %mul3A_2, %add3A_700 : i32
    %dma_start3A_702 = arith.constant 1 : i32
    %dma_start3A_703 = arith.constant 0 : i32
    %dma_start3A_704 = arith.constant 0 : i32
    %dma_start3A_705 = tpu.memref_slice %arg10[%dma_start3A_702, %dma_start3A_703, %dma_start3A_704] : memref<3x16x2048xf32, #tpu.memory_space<vmem>> -> memref<1x16x2048xf32, #tpu.memory_space<vmem>>
    %dma_start3A_706 = tpu.memref_squeeze %dma_start3A_705 : memref<1x16x2048xf32, #tpu.memory_space<vmem>> -> memref<16x2048xf32, #tpu.memory_space<vmem>>
    %dma_start3A_707 = arith.constant 0 : i32
    %dma_start3A_708 = tpu.memref_slice %arg2[%add3A_701, %dma_start3A_707] : memref<8192x2048xf32, #tpu.memory_space<hbm>> -> memref<16x2048xf32, #tpu.memory_space<hbm>>
    %dma_start3A_709 = arith.constant 0 : i32
    %dma_start3A_710 = arith.constant 0 : i32
    %dma_start3A_711 = tpu.memref_slice %arg10[%dma_start3A_702, %dma_start3A_709, %dma_start3A_710] : memref<3x16x2048xf32, #tpu.memory_space<vmem>> -> memref<1x16x2048xf32, #tpu.memory_space<vmem>>
    %dma_start3A_712 = tpu.memref_squeeze %dma_start3A_711 : memref<1x16x2048xf32, #tpu.memory_space<vmem>> -> memref<16x2048xf32, #tpu.memory_space<vmem>>
    %dma_start3A_713 = arith.constant 0 : i32
    %dma_start3A_714 = tpu.memref_slice %arg2[%add3A_701, %dma_start3A_713] : memref<8192x2048xf32, #tpu.memory_space<hbm>> -> memref<16x2048xf32, #tpu.memory_space<hbm>>
    tpu.enqueue_dma source(%dma_start3A_714 : memref<16x2048xf32, #tpu.memory_space<hbm>>) target(%dma_start3A_712 : memref<16x2048xf32, #tpu.memory_space<vmem>>) target_semaphore(%arg12 : memref<!tpu.dma_semaphore, #tpu.memory_space<semaphore_mem>>)
    %get3A_715 = arith.constant 176 : index
    %get3A_716 = tpu.vector_load %arg7[%get3A_715] {strides = array<i32>} : memref<256xi32, #tpu.memory_space<vmem>>, vector<16xi32>,
    %get3A_717 = vector.shape_cast %get3A_716 : vector<16xi32> to vector<16xi32>
    %get3A_718 = arith.constant 176 : index
    %get3A_719 = tpu.vector_load %arg8[%get3A_718] {strides = array<i32>} : memref<256xi32, #tpu.memory_space<vmem>>, vector<16xi32>,
    %get3A_720 = vector.shape_cast %get3A_719 : vector<16xi32> to vector<16xi32>
    %lt3A_721 = arith.constant 0 : i32
    %lt3A_722 = vector.broadcast %lt3A_721 : i32 to vector<16xi32>
    %lt3A_723 = arith.cmpi slt, %get3A_717, %lt3A_722 : vector<16xi32>
    %add3A_724 = arith.constant 16 : i32
    %add3A_725 = vector.broadcast %add3A_724 : i32 to vector<16xi32>
    %add3A_726 = arith.addi %get3A_717, %add3A_725 : vector<16xi32>
    %select_n3A_727 = arith.select %lt3A_723, %add3A_726, %get3A_717 : vector<16xi1>, vector<16xi32>
    %broadcast_in_dim3A_728 = vector.shape_cast %select_n3A_727 : vector<16xi32> to vector<16x1xi32>
    %gather3A_729 = vector.shape_cast %broadcast_in_dim3A_728 : vector<16x1xi32> to vector<16xi32>
    %gather3A_730 = tpu.dynamic_gather %get3A_48[%gather3A_729] in [0] : vector<16xi32>, vector<16xi32> -> vector<16xi32>
    %add3A_731 = arith.addi %gather3A_730, %get3A_720 : vector<16xi32>
    %dma_wait3A_732 = arith.constant 2 : i32
    %dma_wait3A_733 = arith.constant 0 : i32
    %dma_wait3A_734 = arith.constant 0 : i32
    %dma_wait3A_735 = tpu.memref_slice %arg10[%dma_wait3A_732, %dma_wait3A_733, %dma_wait3A_734] : memref<3x16x2048xf32, #tpu.memory_space<vmem>> -> memref<1x16x2048xf32, #tpu.memory_space<vmem>>
    %dma_wait3A_736 = tpu.memref_squeeze %dma_wait3A_735 : memref<1x16x2048xf32, #tpu.memory_space<vmem>> -> memref<16x2048xf32, #tpu.memory_space<vmem>>
    %dma_wait3A_737 = arith.constant 0 : i32
    %dma_wait3A_738 = tpu.memref_slice %arg2[%add3A_579, %dma_wait3A_737] : memref<8192x2048xf32, #tpu.memory_space<hbm>> -> memref<16x2048xf32, #tpu.memory_space<hbm>>
    %dma_wait3A_739 = arith.constant 0 : i32
    %dma_wait3A_740 = arith.constant 0 : i32
    %dma_wait3A_741 = tpu.memref_slice %arg10[%dma_wait3A_732, %dma_wait3A_739, %dma_wait3A_740] : memref<3x16x2048xf32, #tpu.memory_space<vmem>> -> memref<1x16x2048xf32, #tpu.memory_space<vmem>>
    %dma_wait3A_742 = tpu.memref_squeeze %dma_wait3A_741 : memref<1x16x2048xf32, #tpu.memory_space<vmem>> -> memref<16x2048xf32, #tpu.memory_space<vmem>>
    %dma_wait3A_743 = arith.constant 0 : i32
    %dma_wait3A_744 = tpu.memref_slice %arg2[%add3A_579, %dma_wait3A_743] : memref<8192x2048xf32, #tpu.memory_space<hbm>> -> memref<16x2048xf32, #tpu.memory_space<hbm>>
    tpu.wait_dma2 semaphore(%arg13 : memref<!tpu.dma_semaphore, #tpu.memory_space<semaphore_mem>>) src(%dma_wait3A_744 : memref<16x2048xf32, #tpu.memory_space<hbm>>) dst(%dma_wait3A_742 : memref<16x2048xf32, #tpu.memory_space<vmem>>)
    %dma_start3A_745 = arith.constant 2 : i32
    %dma_start3A_746 = arith.constant 0 : i32
    %dma_start3A_747 = arith.constant 0 : i32
    %dma_start3A_748 = tpu.memref_slice %arg10[%dma_start3A_745, %dma_start3A_746, %dma_start3A_747] : memref<3x16x2048xf32, #tpu.memory_space<vmem>> -> memref<1x16x2048xf32, #tpu.memory_space<vmem>>
    %dma_start3A_749 = tpu.memref_squeeze %dma_start3A_748 : memref<1x16x2048xf32, #tpu.memory_space<vmem>> -> memref<16x2048xf32, #tpu.memory_space<vmem>>
    %dma_start3A_750 = arith.constant 0 : i32
    %dma_start3A_751 = arith.constant 0 : i32
    %dma_start3A_752 = tpu.memref_slice %arg6[%dma_start3A_750, %dma_start3A_751] : memref<8192x2048xf32, #tpu.memory_space<hbm>> -> memref<8192x2048xf32, #tpu.memory_space<hbm>>
    tpu.enqueue_indirect_dma source(%dma_start3A_749 : memref<16x2048xf32, #tpu.memory_space<vmem>>) target(%dma_start3A_752 : memref<8192x2048xf32, #tpu.memory_space<hbm>>) offsets(%add3A_731 : vector<16xi32>) semaphore(%arg16 : memref<!tpu.dma_semaphore, #tpu.memory_space<semaphore_mem>>)
    %dma_wait3A_753 = arith.constant 2 : i32
    %dma_wait3A_754 = arith.constant 0 : i32
    %dma_wait3A_755 = arith.constant 0 : i32
    %dma_wait3A_756 = tpu.memref_slice %arg10[%dma_wait3A_753, %dma_wait3A_754, %dma_wait3A_755] : memref<3x16x2048xf32, #tpu.memory_space<vmem>> -> memref<1x16x2048xf32, #tpu.memory_space<vmem>>
    %dma_wait3A_757 = tpu.memref_squeeze %dma_wait3A_756 : memref<1x16x2048xf32, #tpu.memory_space<vmem>> -> memref<16x2048xf32, #tpu.memory_space<vmem>>
    %dma_wait3A_758 = arith.constant 0 : i32
    %dma_wait3A_759 = arith.constant 0 : i32
    %dma_wait3A_760 = tpu.memref_slice %arg6[%dma_wait3A_758, %dma_wait3A_759] : memref<8192x2048xf32, #tpu.memory_space<hbm>> -> memref<8192x2048xf32, #tpu.memory_space<hbm>>
    tpu.wait_indirect_dma semaphore(%arg16 : memref<!tpu.dma_semaphore, #tpu.memory_space<semaphore_mem>>) src(%dma_wait3A_757 : memref<16x2048xf32, #tpu.memory_space<vmem>>) dst(%dma_wait3A_760 : memref<8192x2048xf32, #tpu.memory_space<hbm>>)
    %add3A_761 = arith.constant 224 : i32
    %add3A_762 = arith.addi %mul3A_2, %add3A_761 : i32
    %dma_start3A_763 = arith.constant 2 : i32
    %dma_start3A_764 = arith.constant 0 : i32
    %dma_start3A_765 = arith.constant 0 : i32
    %dma_start3A_766 = tpu.memref_slice %arg10[%dma_start3A_763, %dma_start3A_764, %dma_start3A_765] : memref<3x16x2048xf32, #tpu.memory_space<vmem>> -> memref<1x16x2048xf32, #tpu.memory_space<vmem>>
    %dma_start3A_767 = tpu.memref_squeeze %dma_start3A_766 : memref<1x16x2048xf32, #tpu.memory_space<vmem>> -> memref<16x2048xf32, #tpu.memory_space<vmem>>
    %dma_start3A_768 = arith.constant 0 : i32
    %dma_start3A_769 = tpu.memref_slice %arg2[%add3A_762, %dma_start3A_768] : memref<8192x2048xf32, #tpu.memory_space<hbm>> -> memref<16x2048xf32, #tpu.memory_space<hbm>>
    %dma_start3A_770 = arith.constant 0 : i32
    %dma_start3A_771 = arith.constant 0 : i32
    %dma_start3A_772 = tpu.memref_slice %arg10[%dma_start3A_763, %dma_start3A_770, %dma_start3A_771] : memref<3x16x2048xf32, #tpu.memory_space<vmem>> -> memref<1x16x2048xf32, #tpu.memory_space<vmem>>
    %dma_start3A_773 = tpu.memref_squeeze %dma_start3A_772 : memref<1x16x2048xf32, #tpu.memory_space<vmem>> -> memref<16x2048xf32, #tpu.memory_space<vmem>>
    %dma_start3A_774 = arith.constant 0 : i32
    %dma_start3A_775 = tpu.memref_slice %arg2[%add3A_762, %dma_start3A_774] : memref<8192x2048xf32, #tpu.memory_space<hbm>> -> memref<16x2048xf32, #tpu.memory_space<hbm>>
    tpu.enqueue_dma source(%dma_start3A_775 : memref<16x2048xf32, #tpu.memory_space<hbm>>) target(%dma_start3A_773 : memref<16x2048xf32, #tpu.memory_space<vmem>>) target_semaphore(%arg13 : memref<!tpu.dma_semaphore, #tpu.memory_space<semaphore_mem>>)
    %get3A_776 = arith.constant 192 : index
    %get3A_777 = tpu.vector_load %arg7[%get3A_776] {strides = array<i32>} : memref<256xi32, #tpu.memory_space<vmem>>, vector<16xi32>,
    %get3A_778 = vector.shape_cast %get3A_777 : vector<16xi32> to vector<16xi32>
    %get3A_779 = arith.constant 192 : index
    %get3A_780 = tpu.vector_load %arg8[%get3A_779] {strides = array<i32>} : memref<256xi32, #tpu.memory_space<vmem>>, vector<16xi32>,
    %get3A_781 = vector.shape_cast %get3A_780 : vector<16xi32> to vector<16xi32>
    %lt3A_782 = arith.constant 0 : i32
    %lt3A_783 = vector.broadcast %lt3A_782 : i32 to vector<16xi32>
    %lt3A_784 = arith.cmpi slt, %get3A_778, %lt3A_783 : vector<16xi32>
    %add3A_785 = arith.constant 16 : i32
    %add3A_786 = vector.broadcast %add3A_785 : i32 to vector<16xi32>
    %add3A_787 = arith.addi %get3A_778, %add3A_786 : vector<16xi32>
    %select_n3A_788 = arith.select %lt3A_784, %add3A_787, %get3A_778 : vector<16xi1>, vector<16xi32>
    %broadcast_in_dim3A_789 = vector.shape_cast %select_n3A_788 : vector<16xi32> to vector<16x1xi32>
    %gather3A_790 = vector.shape_cast %broadcast_in_dim3A_789 : vector<16x1xi32> to vector<16xi32>
    %gather3A_791 = tpu.dynamic_gather %get3A_48[%gather3A_790] in [0] : vector<16xi32>, vector<16xi32> -> vector<16xi32>
    %add3A_792 = arith.addi %gather3A_791, %get3A_781 : vector<16xi32>
    %dma_wait3A_793 = arith.constant 0 : i32
    %dma_wait3A_794 = arith.constant 0 : i32
    %dma_wait3A_795 = arith.constant 0 : i32
    %dma_wait3A_796 = tpu.memref_slice %arg10[%dma_wait3A_793, %dma_wait3A_794, %dma_wait3A_795] : memref<3x16x2048xf32, #tpu.memory_space<vmem>> -> memref<1x16x2048xf32, #tpu.memory_space<vmem>>
    %dma_wait3A_797 = tpu.memref_squeeze %dma_wait3A_796 : memref<1x16x2048xf32, #tpu.memory_space<vmem>> -> memref<16x2048xf32, #tpu.memory_space<vmem>>
    %dma_wait3A_798 = arith.constant 0 : i32
    %dma_wait3A_799 = tpu.memref_slice %arg2[%add3A_640, %dma_wait3A_798] : memref<8192x2048xf32, #tpu.memory_space<hbm>> -> memref<16x2048xf32, #tpu.memory_space<hbm>>
    %dma_wait3A_800 = arith.constant 0 : i32
    %dma_wait3A_801 = arith.constant 0 : i32
    %dma_wait3A_802 = tpu.memref_slice %arg10[%dma_wait3A_793, %dma_wait3A_800, %dma_wait3A_801] : memref<3x16x2048xf32, #tpu.memory_space<vmem>> -> memref<1x16x2048xf32, #tpu.memory_space<vmem>>
    %dma_wait3A_803 = tpu.memref_squeeze %dma_wait3A_802 : memref<1x16x2048xf32, #tpu.memory_space<vmem>> -> memref<16x2048xf32, #tpu.memory_space<vmem>>
    %dma_wait3A_804 = arith.constant 0 : i32
    %dma_wait3A_805 = tpu.memref_slice %arg2[%add3A_640, %dma_wait3A_804] : memref<8192x2048xf32, #tpu.memory_space<hbm>> -> memref<16x2048xf32, #tpu.memory_space<hbm>>
    tpu.wait_dma2 semaphore(%arg11 : memref<!tpu.dma_semaphore, #tpu.memory_space<semaphore_mem>>) src(%dma_wait3A_805 : memref<16x2048xf32, #tpu.memory_space<hbm>>) dst(%dma_wait3A_803 : memref<16x2048xf32, #tpu.memory_space<vmem>>)
    %dma_start3A_806 = arith.constant 0 : i32
    %dma_start3A_807 = arith.constant 0 : i32
    %dma_start3A_808 = arith.constant 0 : i32
    %dma_start3A_809 = tpu.memref_slice %arg10[%dma_start3A_806, %dma_start3A_807, %dma_start3A_808] : memref<3x16x2048xf32, #tpu.memory_space<vmem>> -> memref<1x16x2048xf32, #tpu.memory_space<vmem>>
    %dma_start3A_810 = tpu.memref_squeeze %dma_start3A_809 : memref<1x16x2048xf32, #tpu.memory_space<vmem>> -> memref<16x2048xf32, #tpu.memory_space<vmem>>
    %dma_start3A_811 = arith.constant 0 : i32
    %dma_start3A_812 = arith.constant 0 : i32
    %dma_start3A_813 = tpu.memref_slice %arg6[%dma_start3A_811, %dma_start3A_812] : memref<8192x2048xf32, #tpu.memory_space<hbm>> -> memref<8192x2048xf32, #tpu.memory_space<hbm>>
    tpu.enqueue_indirect_dma source(%dma_start3A_810 : memref<16x2048xf32, #tpu.memory_space<vmem>>) target(%dma_start3A_813 : memref<8192x2048xf32, #tpu.memory_space<hbm>>) offsets(%add3A_792 : vector<16xi32>) semaphore(%arg14 : memref<!tpu.dma_semaphore, #tpu.memory_space<semaphore_mem>>)
    %dma_wait3A_814 = arith.constant 0 : i32
    %dma_wait3A_815 = arith.constant 0 : i32
    %dma_wait3A_816 = arith.constant 0 : i32
    %dma_wait3A_817 = tpu.memref_slice %arg10[%dma_wait3A_814, %dma_wait3A_815, %dma_wait3A_816] : memref<3x16x2048xf32, #tpu.memory_space<vmem>> -> memref<1x16x2048xf32, #tpu.memory_space<vmem>>
    %dma_wait3A_818 = tpu.memref_squeeze %dma_wait3A_817 : memref<1x16x2048xf32, #tpu.memory_space<vmem>> -> memref<16x2048xf32, #tpu.memory_space<vmem>>
    %dma_wait3A_819 = arith.constant 0 : i32
    %dma_wait3A_820 = arith.constant 0 : i32
    %dma_wait3A_821 = tpu.memref_slice %arg6[%dma_wait3A_819, %dma_wait3A_820] : memref<8192x2048xf32, #tpu.memory_space<hbm>> -> memref<8192x2048xf32, #tpu.memory_space<hbm>>
    tpu.wait_indirect_dma semaphore(%arg14 : memref<!tpu.dma_semaphore, #tpu.memory_space<semaphore_mem>>) src(%dma_wait3A_818 : memref<16x2048xf32, #tpu.memory_space<vmem>>) dst(%dma_wait3A_821 : memref<8192x2048xf32, #tpu.memory_space<hbm>>)
    %add3A_822 = arith.constant 240 : i32
    %add3A_823 = arith.addi %mul3A_2, %add3A_822 : i32
    %dma_start3A_824 = arith.constant 0 : i32
    %dma_start3A_825 = arith.constant 0 : i32
    %dma_start3A_826 = arith.constant 0 : i32
    %dma_start3A_827 = tpu.memref_slice %arg10[%dma_start3A_824, %dma_start3A_825, %dma_start3A_826] : memref<3x16x2048xf32, #tpu.memory_space<vmem>> -> memref<1x16x2048xf32, #tpu.memory_space<vmem>>
    %dma_start3A_828 = tpu.memref_squeeze %dma_start3A_827 : memref<1x16x2048xf32, #tpu.memory_space<vmem>> -> memref<16x2048xf32, #tpu.memory_space<vmem>>
    %dma_start3A_829 = arith.constant 0 : i32
    %dma_start3A_830 = tpu.memref_slice %arg2[%add3A_823, %dma_start3A_829] : memref<8192x2048xf32, #tpu.memory_space<hbm>> -> memref<16x2048xf32, #tpu.memory_space<hbm>>
    %dma_start3A_831 = arith.constant 0 : i32
    %dma_start3A_832 = arith.constant 0 : i32
    %dma_start3A_833 = tpu.memref_slice %arg10[%dma_start3A_824, %dma_start3A_831, %dma_start3A_832] : memref<3x16x2048xf32, #tpu.memory_space<vmem>> -> memref<1x16x2048xf32, #tpu.memory_space<vmem>>
    %dma_start3A_834 = tpu.memref_squeeze %dma_start3A_833 : memref<1x16x2048xf32, #tpu.memory_space<vmem>> -> memref<16x2048xf32, #tpu.memory_space<vmem>>
    %dma_start3A_835 = arith.constant 0 : i32
    %dma_start3A_836 = tpu.memref_slice %arg2[%add3A_823, %dma_start3A_835] : memref<8192x2048xf32, #tpu.memory_space<hbm>> -> memref<16x2048xf32, #tpu.memory_space<hbm>>
    tpu.enqueue_dma source(%dma_start3A_836 : memref<16x2048xf32, #tpu.memory_space<hbm>>) target(%dma_start3A_834 : memref<16x2048xf32, #tpu.memory_space<vmem>>) target_semaphore(%arg11 : memref<!tpu.dma_semaphore, #tpu.memory_space<semaphore_mem>>)
    %get3A_837 = arith.constant 208 : index
    %get3A_838 = tpu.vector_load %arg7[%get3A_837] {strides = array<i32>} : memref<256xi32, #tpu.memory_space<vmem>>, vector<16xi32>,
    %get3A_839 = vector.shape_cast %get3A_838 : vector<16xi32> to vector<16xi32>
    %get3A_840 = arith.constant 208 : index
    %get3A_841 = tpu.vector_load %arg8[%get3A_840] {strides = array<i32>} : memref<256xi32, #tpu.memory_space<vmem>>, vector<16xi32>,
    %get3A_842 = vector.shape_cast %get3A_841 : vector<16xi32> to vector<16xi32>
    %lt3A_843 = arith.constant 0 : i32
    %lt3A_844 = vector.broadcast %lt3A_843 : i32 to vector<16xi32>
    %lt3A_845 = arith.cmpi slt, %get3A_839, %lt3A_844 : vector<16xi32>
    %add3A_846 = arith.constant 16 : i32
    %add3A_847 = vector.broadcast %add3A_846 : i32 to vector<16xi32>
    %add3A_848 = arith.addi %get3A_839, %add3A_847 : vector<16xi32>
    %select_n3A_849 = arith.select %lt3A_845, %add3A_848, %get3A_839 : vector<16xi1>, vector<16xi32>
    %broadcast_in_dim3A_850 = vector.shape_cast %select_n3A_849 : vector<16xi32> to vector<16x1xi32>
    %gather3A_851 = vector.shape_cast %broadcast_in_dim3A_850 : vector<16x1xi32> to vector<16xi32>
    %gather3A_852 = tpu.dynamic_gather %get3A_48[%gather3A_851] in [0] : vector<16xi32>, vector<16xi32> -> vector<16xi32>
    %add3A_853 = arith.addi %gather3A_852, %get3A_842 : vector<16xi32>
    %dma_wait3A_854 = arith.constant 1 : i32
    %dma_wait3A_855 = arith.constant 0 : i32
    %dma_wait3A_856 = arith.constant 0 : i32
    %dma_wait3A_857 = tpu.memref_slice %arg10[%dma_wait3A_854, %dma_wait3A_855, %dma_wait3A_856] : memref<3x16x2048xf32, #tpu.memory_space<vmem>> -> memref<1x16x2048xf32, #tpu.memory_space<vmem>>
    %dma_wait3A_858 = tpu.memref_squeeze %dma_wait3A_857 : memref<1x16x2048xf32, #tpu.memory_space<vmem>> -> memref<16x2048xf32, #tpu.memory_space<vmem>>
    %dma_wait3A_859 = arith.constant 0 : i32
    %dma_wait3A_860 = tpu.memref_slice %arg2[%add3A_701, %dma_wait3A_859] : memref<8192x2048xf32, #tpu.memory_space<hbm>> -> memref<16x2048xf32, #tpu.memory_space<hbm>>
    %dma_wait3A_861 = arith.constant 0 : i32
    %dma_wait3A_862 = arith.constant 0 : i32
    %dma_wait3A_863 = tpu.memref_slice %arg10[%dma_wait3A_854, %dma_wait3A_861, %dma_wait3A_862] : memref<3x16x2048xf32, #tpu.memory_space<vmem>> -> memref<1x16x2048xf32, #tpu.memory_space<vmem>>
    %dma_wait3A_864 = tpu.memref_squeeze %dma_wait3A_863 : memref<1x16x2048xf32, #tpu.memory_space<vmem>> -> memref<16x2048xf32, #tpu.memory_space<vmem>>
    %dma_wait3A_865 = arith.constant 0 : i32
    %dma_wait3A_866 = tpu.memref_slice %arg2[%add3A_701, %dma_wait3A_865] : memref<8192x2048xf32, #tpu.memory_space<hbm>> -> memref<16x2048xf32, #tpu.memory_space<hbm>>
    tpu.wait_dma2 semaphore(%arg12 : memref<!tpu.dma_semaphore, #tpu.memory_space<semaphore_mem>>) src(%dma_wait3A_866 : memref<16x2048xf32, #tpu.memory_space<hbm>>) dst(%dma_wait3A_864 : memref<16x2048xf32, #tpu.memory_space<vmem>>)
    %dma_start3A_867 = arith.constant 1 : i32
    %dma_start3A_868 = arith.constant 0 : i32
    %dma_start3A_869 = arith.constant 0 : i32
    %dma_start3A_870 = tpu.memref_slice %arg10[%dma_start3A_867, %dma_start3A_868, %dma_start3A_869] : memref<3x16x2048xf32, #tpu.memory_space<vmem>> -> memref<1x16x2048xf32, #tpu.memory_space<vmem>>
    %dma_start3A_871 = tpu.memref_squeeze %dma_start3A_870 : memref<1x16x2048xf32, #tpu.memory_space<vmem>> -> memref<16x2048xf32, #tpu.memory_space<vmem>>
    %dma_start3A_872 = arith.constant 0 : i32
    %dma_start3A_873 = arith.constant 0 : i32
    %dma_start3A_874 = tpu.memref_slice %arg6[%dma_start3A_872, %dma_start3A_873] : memref<8192x2048xf32, #tpu.memory_space<hbm>> -> memref<8192x2048xf32, #tpu.memory_space<hbm>>
    tpu.enqueue_indirect_dma source(%dma_start3A_871 : memref<16x2048xf32, #tpu.memory_space<vmem>>) target(%dma_start3A_874 : memref<8192x2048xf32, #tpu.memory_space<hbm>>) offsets(%add3A_853 : vector<16xi32>) semaphore(%arg15 : memref<!tpu.dma_semaphore, #tpu.memory_space<semaphore_mem>>)
    %get3A_875 = arith.constant 224 : index
    %get3A_876 = tpu.vector_load %arg7[%get3A_875] {strides = array<i32>} : memref<256xi32, #tpu.memory_space<vmem>>, vector<16xi32>,
    %get3A_877 = vector.shape_cast %get3A_876 : vector<16xi32> to vector<16xi32>
    %get3A_878 = arith.constant 224 : index
    %get3A_879 = tpu.vector_load %arg8[%get3A_878] {strides = array<i32>} : memref<256xi32, #tpu.memory_space<vmem>>, vector<16xi32>,
    %get3A_880 = vector.shape_cast %get3A_879 : vector<16xi32> to vector<16xi32>
    %lt3A_881 = arith.constant 0 : i32
    %lt3A_882 = vector.broadcast %lt3A_881 : i32 to vector<16xi32>
    %lt3A_883 = arith.cmpi slt, %get3A_877, %lt3A_882 : vector<16xi32>
    %add3A_884 = arith.constant 16 : i32
    %add3A_885 = vector.broadcast %add3A_884 : i32 to vector<16xi32>
    %add3A_886 = arith.addi %get3A_877, %add3A_885 : vector<16xi32>
    %select_n3A_887 = arith.select %lt3A_883, %add3A_886, %get3A_877 : vector<16xi1>, vector<16xi32>
    %broadcast_in_dim3A_888 = vector.shape_cast %select_n3A_887 : vector<16xi32> to vector<16x1xi32>
    %gather3A_889 = vector.shape_cast %broadcast_in_dim3A_888 : vector<16x1xi32> to vector<16xi32>
    %gather3A_890 = tpu.dynamic_gather %get3A_48[%gather3A_889] in [0] : vector<16xi32>, vector<16xi32> -> vector<16xi32>
    %add3A_891 = arith.addi %gather3A_890, %get3A_880 : vector<16xi32>
    %dma_wait3A_892 = arith.constant 2 : i32
    %dma_wait3A_893 = arith.constant 0 : i32
    %dma_wait3A_894 = arith.constant 0 : i32
    %dma_wait3A_895 = tpu.memref_slice %arg10[%dma_wait3A_892, %dma_wait3A_893, %dma_wait3A_894] : memref<3x16x2048xf32, #tpu.memory_space<vmem>> -> memref<1x16x2048xf32, #tpu.memory_space<vmem>>
    %dma_wait3A_896 = tpu.memref_squeeze %dma_wait3A_895 : memref<1x16x2048xf32, #tpu.memory_space<vmem>> -> memref<16x2048xf32, #tpu.memory_space<vmem>>
    %dma_wait3A_897 = arith.constant 0 : i32
    %dma_wait3A_898 = tpu.memref_slice %arg2[%add3A_762, %dma_wait3A_897] : memref<8192x2048xf32, #tpu.memory_space<hbm>> -> memref<16x2048xf32, #tpu.memory_space<hbm>>
    %dma_wait3A_899 = arith.constant 0 : i32
    %dma_wait3A_900 = arith.constant 0 : i32
    %dma_wait3A_901 = tpu.memref_slice %arg10[%dma_wait3A_892, %dma_wait3A_899, %dma_wait3A_900] : memref<3x16x2048xf32, #tpu.memory_space<vmem>> -> memref<1x16x2048xf32, #tpu.memory_space<vmem>>
    %dma_wait3A_902 = tpu.memref_squeeze %dma_wait3A_901 : memref<1x16x2048xf32, #tpu.memory_space<vmem>> -> memref<16x2048xf32, #tpu.memory_space<vmem>>
    %dma_wait3A_903 = arith.constant 0 : i32
    %dma_wait3A_904 = tpu.memref_slice %arg2[%add3A_762, %dma_wait3A_903] : memref<8192x2048xf32, #tpu.memory_space<hbm>> -> memref<16x2048xf32, #tpu.memory_space<hbm>>
    tpu.wait_dma2 semaphore(%arg13 : memref<!tpu.dma_semaphore, #tpu.memory_space<semaphore_mem>>) src(%dma_wait3A_904 : memref<16x2048xf32, #tpu.memory_space<hbm>>) dst(%dma_wait3A_902 : memref<16x2048xf32, #tpu.memory_space<vmem>>)
    %dma_start3A_905 = arith.constant 2 : i32
    %dma_start3A_906 = arith.constant 0 : i32
    %dma_start3A_907 = arith.constant 0 : i32
    %dma_start3A_908 = tpu.memref_slice %arg10[%dma_start3A_905, %dma_start3A_906, %dma_start3A_907] : memref<3x16x2048xf32, #tpu.memory_space<vmem>> -> memref<1x16x2048xf32, #tpu.memory_space<vmem>>
    %dma_start3A_909 = tpu.memref_squeeze %dma_start3A_908 : memref<1x16x2048xf32, #tpu.memory_space<vmem>> -> memref<16x2048xf32, #tpu.memory_space<vmem>>
    %dma_start3A_910 = arith.constant 0 : i32
    %dma_start3A_911 = arith.constant 0 : i32
    %dma_start3A_912 = tpu.memref_slice %arg6[%dma_start3A_910, %dma_start3A_911] : memref<8192x2048xf32, #tpu.memory_space<hbm>> -> memref<8192x2048xf32, #tpu.memory_space<hbm>>
    tpu.enqueue_indirect_dma source(%dma_start3A_909 : memref<16x2048xf32, #tpu.memory_space<vmem>>) target(%dma_start3A_912 : memref<8192x2048xf32, #tpu.memory_space<hbm>>) offsets(%add3A_891 : vector<16xi32>) semaphore(%arg16 : memref<!tpu.dma_semaphore, #tpu.memory_space<semaphore_mem>>)
    %get3A_913 = arith.constant 240 : index
    %get3A_914 = tpu.vector_load %arg7[%get3A_913] {strides = array<i32>} : memref<256xi32, #tpu.memory_space<vmem>>, vector<16xi32>,
    %get3A_915 = vector.shape_cast %get3A_914 : vector<16xi32> to vector<16xi32>
    %get3A_916 = arith.constant 240 : index
    %get3A_917 = tpu.vector_load %arg8[%get3A_916] {strides = array<i32>} : memref<256xi32, #tpu.memory_space<vmem>>, vector<16xi32>,
    %get3A_918 = vector.shape_cast %get3A_917 : vector<16xi32> to vector<16xi32>
    %lt3A_919 = arith.constant 0 : i32
    %lt3A_920 = vector.broadcast %lt3A_919 : i32 to vector<16xi32>
    %lt3A_921 = arith.cmpi slt, %get3A_915, %lt3A_920 : vector<16xi32>
    %add3A_922 = arith.constant 16 : i32
    %add3A_923 = vector.broadcast %add3A_922 : i32 to vector<16xi32>
    %add3A_924 = arith.addi %get3A_915, %add3A_923 : vector<16xi32>
    %select_n3A_925 = arith.select %lt3A_921, %add3A_924, %get3A_915 : vector<16xi1>, vector<16xi32>
    %broadcast_in_dim3A_926 = vector.shape_cast %select_n3A_925 : vector<16xi32> to vector<16x1xi32>
    %gather3A_927 = vector.shape_cast %broadcast_in_dim3A_926 : vector<16x1xi32> to vector<16xi32>
    %gather3A_928 = tpu.dynamic_gather %get3A_48[%gather3A_927] in [0] : vector<16xi32>, vector<16xi32> -> vector<16xi32>
    %add3A_929 = arith.addi %gather3A_928, %get3A_918 : vector<16xi32>
    %dma_wait3A_930 = arith.constant 0 : i32
    %dma_wait3A_931 = arith.constant 0 : i32
    %dma_wait3A_932 = arith.constant 0 : i32
    %dma_wait3A_933 = tpu.memref_slice %arg10[%dma_wait3A_930, %dma_wait3A_931, %dma_wait3A_932] : memref<3x16x2048xf32, #tpu.memory_space<vmem>> -> memref<1x16x2048xf32, #tpu.memory_space<vmem>>
    %dma_wait3A_934 = tpu.memref_squeeze %dma_wait3A_933 : memref<1x16x2048xf32, #tpu.memory_space<vmem>> -> memref<16x2048xf32, #tpu.memory_space<vmem>>
    %dma_wait3A_935 = arith.constant 0 : i32
    %dma_wait3A_936 = tpu.memref_slice %arg2[%add3A_823, %dma_wait3A_935] : memref<8192x2048xf32, #tpu.memory_space<hbm>> -> memref<16x2048xf32, #tpu.memory_space<hbm>>
    %dma_wait3A_937 = arith.constant 0 : i32
    %dma_wait3A_938 = arith.constant 0 : i32
    %dma_wait3A_939 = tpu.memref_slice %arg10[%dma_wait3A_930, %dma_wait3A_937, %dma_wait3A_938] : memref<3x16x2048xf32, #tpu.memory_space<vmem>> -> memref<1x16x2048xf32, #tpu.memory_space<vmem>>
    %dma_wait3A_940 = tpu.memref_squeeze %dma_wait3A_939 : memref<1x16x2048xf32, #tpu.memory_space<vmem>> -> memref<16x2048xf32, #tpu.memory_space<vmem>>
    %dma_wait3A_941 = arith.constant 0 : i32
    %dma_wait3A_942 = tpu.memref_slice %arg2[%add3A_823, %dma_wait3A_941] : memref<8192x2048xf32, #tpu.memory_space<hbm>> -> memref<16x2048xf32, #tpu.memory_space<hbm>>
    tpu.wait_dma2 semaphore(%arg11 : memref<!tpu.dma_semaphore, #tpu.memory_space<semaphore_mem>>) src(%dma_wait3A_942 : memref<16x2048xf32, #tpu.memory_space<hbm>>) dst(%dma_wait3A_940 : memref<16x2048xf32, #tpu.memory_space<vmem>>)
    %dma_start3A_943 = arith.constant 0 : i32
    %dma_start3A_944 = arith.constant 0 : i32
    %dma_start3A_945 = arith.constant 0 : i32
    %dma_start3A_946 = tpu.memref_slice %arg10[%dma_start3A_943, %dma_start3A_944, %dma_start3A_945] : memref<3x16x2048xf32, #tpu.memory_space<vmem>> -> memref<1x16x2048xf32, #tpu.memory_space<vmem>>
    %dma_start3A_947 = tpu.memref_squeeze %dma_start3A_946 : memref<1x16x2048xf32, #tpu.memory_space<vmem>> -> memref<16x2048xf32, #tpu.memory_space<vmem>>
    %dma_start3A_948 = arith.constant 0 : i32
    %dma_start3A_949 = arith.constant 0 : i32
    %dma_start3A_950 = tpu.memref_slice %arg6[%dma_start3A_948, %dma_start3A_949] : memref<8192x2048xf32, #tpu.memory_space<hbm>> -> memref<8192x2048xf32, #tpu.memory_space<hbm>>
    tpu.enqueue_indirect_dma source(%dma_start3A_947 : memref<16x2048xf32, #tpu.memory_space<vmem>>) target(%dma_start3A_950 : memref<8192x2048xf32, #tpu.memory_space<hbm>>) offsets(%add3A_929 : vector<16xi32>) semaphore(%arg14 : memref<!tpu.dma_semaphore, #tpu.memory_space<semaphore_mem>>)
    %dma_wait3A_951 = arith.constant 1 : i32
    %dma_wait3A_952 = arith.constant 0 : i32
    %dma_wait3A_953 = arith.constant 0 : i32
    %dma_wait3A_954 = tpu.memref_slice %arg10[%dma_wait3A_951, %dma_wait3A_952, %dma_wait3A_953] : memref<3x16x2048xf32, #tpu.memory_space<vmem>> -> memref<1x16x2048xf32, #tpu.memory_space<vmem>>
    %dma_wait3A_955 = tpu.memref_squeeze %dma_wait3A_954 : memref<1x16x2048xf32, #tpu.memory_space<vmem>> -> memref<16x2048xf32, #tpu.memory_space<vmem>>
    %dma_wait3A_956 = arith.constant 0 : i32
    %dma_wait3A_957 = arith.constant 0 : i32
    %dma_wait3A_958 = tpu.memref_slice %arg6[%dma_wait3A_956, %dma_wait3A_957] : memref<8192x2048xf32, #tpu.memory_space<hbm>> -> memref<8192x2048xf32, #tpu.memory_space<hbm>>
    tpu.wait_indirect_dma semaphore(%arg15 : memref<!tpu.dma_semaphore, #tpu.memory_space<semaphore_mem>>) src(%dma_wait3A_955 : memref<16x2048xf32, #tpu.memory_space<vmem>>) dst(%dma_wait3A_958 : memref<8192x2048xf32, #tpu.memory_space<hbm>>)
    %dma_wait3A_959 = arith.constant 2 : i32
    %dma_wait3A_960 = arith.constant 0 : i32
    %dma_wait3A_961 = arith.constant 0 : i32
    %dma_wait3A_962 = tpu.memref_slice %arg10[%dma_wait3A_959, %dma_wait3A_960, %dma_wait3A_961] : memref<3x16x2048xf32, #tpu.memory_space<vmem>> -> memref<1x16x2048xf32, #tpu.memory_space<vmem>>
    %dma_wait3A_963 = tpu.memref_squeeze %dma_wait3A_962 : memref<1x16x2048xf32, #tpu.memory_space<vmem>> -> memref<16x2048xf32, #tpu.memory_space<vmem>>
    %dma_wait3A_964 = arith.constant 0 : i32
    %dma_wait3A_965 = arith.constant 0 : i32
    %dma_wait3A_966 = tpu.memref_slice %arg6[%dma_wait3A_964, %dma_wait3A_965] : memref<8192x2048xf32, #tpu.memory_space<hbm>> -> memref<8192x2048xf32, #tpu.memory_space<hbm>>
    tpu.wait_indirect_dma semaphore(%arg16 : memref<!tpu.dma_semaphore, #tpu.memory_space<semaphore_mem>>) src(%dma_wait3A_963 : memref<16x2048xf32, #tpu.memory_space<vmem>>) dst(%dma_wait3A_966 : memref<8192x2048xf32, #tpu.memory_space<hbm>>)
    %dma_wait3A_967 = arith.constant 0 : i32
    %dma_wait3A_968 = arith.constant 0 : i32
    %dma_wait3A_969 = arith.constant 0 : i32
    %dma_wait3A_970 = tpu.memref_slice %arg10[%dma_wait3A_967, %dma_wait3A_968, %dma_wait3A_969] : memref<3x16x2048xf32, #tpu.memory_space<vmem>> -> memref<1x16x2048xf32, #tpu.memory_space<vmem>>
    %dma_wait3A_971 = tpu.memref_squeeze %dma_wait3A_970 : memref<1x16x2048xf32, #tpu.memory_space<vmem>> -> memref<16x2048xf32, #tpu.memory_space<vmem>>
    %dma_wait3A_972 = arith.constant 0 : i32
    %dma_wait3A_973 = arith.constant 0 : i32
    %dma_wait3A_974 = tpu.memref_slice %arg6[%dma_wait3A_972, %dma_wait3A_973] : memref<8192x2048xf32, #tpu.memory_space<hbm>> -> memref<8192x2048xf32, #tpu.memory_space<hbm>>
    tpu.wait_indirect_dma semaphore(%arg14 : memref<!tpu.dma_semaphore, #tpu.memory_space<semaphore_mem>>) src(%dma_wait3A_971 : memref<16x2048xf32, #tpu.memory_space<vmem>>) dst(%dma_wait3A_974 : memref<8192x2048xf32, #tpu.memory_space<hbm>>)
    return
  }
}

</mosaic_0001>

<sc_bundles>
// kernel: _dispatch.3.cloned.1.call-start
scs
__scs_entry_jumppad:
0x0: {  	(pc) =	sbr.rel $0x88, $3  }
0x1: {  	(tag) =	ssettag $0x0;
	lr =	simm.s32 $0x1  }
0x2: {  	[smem:$0x3F9D] =	sst lr;
	_ =	strace $0xD0000000  }
0x3: {  	_ = 	snop  }
0x4: {  	_ = 	snop  }
0x5: {  	_ = 	snop  }
0x6: {  	_ = 	snop  }
0x7: {  	_ = 	snop  }
__scs_overlays_trampoline_lowered:
0x8: {  	[smem:$0x3FAC] =	sst s0  }
0x9: {  	[smem:$0x3FAD] =	sst s1  }
0xa: {  	[smem:$0x3FAE] =	sst s2  }
0xb: {  	[smem:$0x3FAF] =	sst s3  }
0xc: {  	[smem:$0x3FB0] =	sst s4  }
0xd: {  	[smem:$0x3FB1] =	sst s5  }
0xe: {  	[smem:$0x3FB2] =	sst s6  }
0xf: {  	[smem:$0x3FB3] =	sst s7  }
0x10: {  	[smem:$0x3FB4] =	sst s8  }
0x11: {  	[smem:$0x3FB5] =	sst s9;
	s0 =	simm.s32 @!p0 $0x0  }
0x12: {  	s1 =	sld [smem:$0x3F9B];
	s0 =	simm.s32 @p0 $0x1  }
0x13: {  	[smem:$0x3FB6] =	sst s0;
	s0 =	simm.s32 @!p1 $0x0  }
0x14: {  	s2 =	sld [smem:$0x3F9A];
	s0 =	simm.s32 @p1 $0x1  }
0x15: {  	[smem:$0x3FB7] =	sst s0;
	s0 =	simm.s32 @!p2 $0x0  }
0x16: {  	s3 =	sld [smem:$0x3FDB];
	s0 =	simm.s32 @p2 $0x1  }
0x17: {  	s4 =	simm.s32 $0x1BF5;
	[smem:$0x3FB9] =	sst s0  }
0x18: {  	s0 =	sld [smem:$0x3F9C];
	_ =	swait.ge [sflag:s4], $0x0  }
0x19: {  	s7 =	sld [smem:$0x3F9D]  }
0x1a: {  	s8 =	sadd.s32 $0xFFFFE003, lr  }
0x1b: {  	s9 =	sadd.s32 $0xFFFFFEF7, lr;
	s5 =	simm.s32 $0xFFFFFFFF;
	p2 =	slt.u32 s8, $0xFFFFF086  }
0x1c: {  	p1 =	slt.u32 s9, $0xF7A;
	s5 =	simm.s32 @!p2 $0x0  }
0x1d: {  	s5 =	simm.s32 @p1 $0x1;
	p0 =	seq.s32 s7, s2  }
0x1e: {  	s7 =	smul.u32 @!p0 $0xF7A, s2;
	p2 =	seq.s32 @!p0 s5, $0x0  }
0x1f: {  	s9 =	smul.u32 $0xF7A, s1;
	s8 =	simm.s32 @!p0 $0x1BF5;
	p2 =	por !p2, p0  }
0x20: {  	[sflag:s8] =	ssyncset.s32 @!p0 $0xFFFFF086;
	s6 =	sadd.s32 @!p0 s3, s7;
	s7 =	simm.s32 @!p0 $0x108  }
0x21: {  	s3 =	sadd.s32 s3, s9;
	s6 =	sadd.s32 @!p0 $0x88, s6;
	s7 =	simm.s32 @p2 $0x1082  }
0x22: {  	[simem:s7], [sflag:s8] =	dma.local @!p0 [hbm:s6], $0xF7A  }
0x23: {  	s9 =	sor.u32 $0xD0000000, s2;
	s6 =	simm.s32 $0x108;
	_ =	swait.ge @!p0 [sflag:s8], $0x0  }
0x24: {  	s3 =	sadd.s32 $0x88, s3;
	s6 =	simm.s32 @!p1 $0x1082;
	[sflag:s4] =	ssyncset.s32 $0xFFFFF086  }
0x25: {  	[simem:s6], [sflag:s4] =	dma.local [hbm:s3], $0xF7A  }
0x26: {  	[smem:$0x3F9D] =	sst s1;
	(tag) =	ssettag s2;
	_ =	strace s9  }
0x27: {  	s1 =	sld [smem:$0x3FAD]  }
0x28: {  	s2 =	sld [smem:$0x3FAE]  }
0x29: {  	s4 =	sld [smem:$0x3FB0]  }
0x2a: {  	p0 =	seq.s32 s5, $0x0;
	s5 =	sld [smem:$0x3FB1]  }
0x2b: {  	s6 =	sld [smem:$0x3FB2]  }
0x2c: {  	s7 =	sld [smem:$0x3FB3]  }
0x2d: {  	s3 =	simm.s32 $0x108;
	s8 =	sld [smem:$0x3FB4]  }
0x2e: {  	s3 =	simm.s32 @!p0 $0x1082;
	s9 =	sld [smem:$0x3FB5]  }
0x2f: {  	lr =	sadd.s32 s0, s3;
	s0 =	sld [smem:$0x3FAC]  }
0x30: {  	s3 =	sld [smem:$0x3FAF]  }
0x31: {  	[smem:$0x3FB8] =	sst s10  }
0x32: {  	s10 =	sld [smem:$0x3FB6];
	_ =	sdelay $0x3  }
0x33: {  	p0 =	seq.s32 s10, $0x1;
	s10 =	sld [smem:$0x3FB8];
	_ =	sdelay $0x3  }
0x34: {  	[smem:$0x3FB8] =	sst s10  }
0x35: {  	s10 =	sld [smem:$0x3FB7];
	_ =	sdelay $0x3  }
0x36: {  	p1 =	seq.s32 s10, $0x1;
	s10 =	sld [smem:$0x3FB8];
	_ =	sdelay $0x3  }
0x37: {  	[smem:$0x3FB8] =	sst s10  }
0x38: {  	s10 =	sld [smem:$0x3FB9]  }
0x39: {  	_ = 	snop;
	(pc) =	sbr.ind lr, $3  }
0x3a: {  	_ = 	snop  }
0x3b: {  	_ = 	snop  }
0x3c: {  	p2 =	seq.s32 s10, $0x1;
	s10 =	sld [smem:$0x3FB8]  }
0x3d: {  	_ =	shalt  }
0x3e: {  	_ =	shalt  }
0x3f: {  	_ =	shalt  }
0x40: {  	_ =	shalt  }
0x41: {  	_ =	shalt  }
0x42: {  	_ =	shalt  }
0x43: {  	_ =	shalt  }
0x44: {  	_ =	shalt  }
0x45: {  	_ =	shalt  }
0x46: {  	_ =	shalt  }
0x47: {  	_ =	shalt  }
0x48: {  	_ =	shalt  }
0x49: {  	_ =	shalt  }
0x4a: {  	_ =	shalt  }
0x4b: {  	_ =	shalt  }
0x4c: {  	_ =	shalt  }
0x4d: {  	_ =	shalt  }
0x4e: {  	_ =	shalt  }
0x4f: {  	_ =	shalt  }
0x50: {  	_ =	shalt  }
0x51: {  	_ =	shalt  }
0x52: {  	_ =	shalt  }
0x53: {  	_ =	shalt  }
0x54: {  	_ =	shalt  }
0x55: {  	_ =	shalt  }
0x56: {  	_ =	shalt  }
0x57: {  	_ =	shalt  }
0x58: {  	_ =	shalt  }
0x59: {  	_ =	shalt  }
0x5a: {  	_ =	shalt  }
0x5b: {  	_ =	shalt  }
0x5c: {  	_ =	shalt  }
0x5d: {  	_ =	shalt  }
0x5e: {  	_ =	shalt  }
0x5f: {  	_ =	shalt  }
0x60: {  	_ =	shalt  }
0x61: {  	_ =	shalt  }
0x62: {  	_ =	shalt  }
0x63: {  	_ =	shalt  }
0x64: {  	_ =	shalt  }
0x65: {  	_ =	shalt  }
0x66: {  	_ =	shalt  }
0x67: {  	_ =	shalt  }
0x68: {  	_ =	shalt  }
0x69: {  	_ =	shalt  }
0x6a: {  	_ =	shalt  }
0x6b: {  	_ =	shalt  }
0x6c: {  	_ =	shalt  }
0x6d: {  	_ =	shalt  }
0x6e: {  	_ =	shalt  }
0x6f: {  	_ =	shalt  }
0x70: {  	_ =	shalt  }
0x71: {  	_ =	shalt  }
0x72: {  	_ =	shalt  }
0x73: {  	_ =	shalt  }
0x74: {  	_ =	shalt  }
0x75: {  	_ =	shalt  }
0x76: {  	_ =	shalt  }
0x77: {  	_ =	shalt  }
0x78: {  	_ =	shalt  }
0x79: {  	_ =	shalt  }
0x7a: {  	_ =	shalt  }
0x7b: {  	_ =	shalt  }
0x7c: {  	_ =	shalt  }
0x7d: {  	_ =	shalt  }
0x7e: {  	_ =	shalt  }
0x7f: {  	_ =	shalt  }
0x80: {  	_ =	shalt  }
0x81: {  	_ =	shalt  }
0x82: {  	_ =	shalt  }
0x83: {  	_ =	shalt  }
0x84: {  	_ =	shalt  }
0x85: {  	_ =	shalt  }
0x86: {  	_ =	shalt  }
0x87: {  	_ =	shalt  }
.Lfunc_end0:
.L_simem_size_0:
called_computation_lowered:
.L_overlay_start_0:
0x88: {  	s2 =	sld [smem:$0x3FD9]  }
0x89: {  	s3 =	sld [smem:$0x3FFE];
	_ =	sdelay $0x1  }
0x8a: {  	s1 =	srdreg.scid  }
0x8b: {  	s0 =	sand.u32 $0x1, s1  }
0x8c: {  	s18 =	sshll.u32 s0, $0xA;
	s2 =	sadd.s32 s3, s2  }
0x8d: {  	s2 =	sadd.s32 s2, s18  }
0x8e: {  	[smem:$0x3FC4] =	sst s2  }
0x8f: {  	_ = 	snop  }
0x90: {  	s2 =	sld [smem:$0x3FC9]  }
0x91: {  	s19 =	sld [smem:$0x3FC8]  }
0x92: {  	s4 =	sld [smem:$0x3FC7]  }
0x93: {  	s5 =	sld [smem:$0x3FC6]  }
0x94: {  	s6 =	sld [smem:$0x3FD0];
	(tm) =	ssettm $0x1  }
0x95: {  	s7 =	sld [smem:$0x3FFB];
	_ =	sdelay $0x3  }
0x96: {  	_ =	strace s7  }
0x97: {  	s7 =	sld [smem:$0x3FFC];
	_ =	sdelay $0x3  }
0x98: {  	_ =	strace s7  }
0x99: {  	s7 =	sld [smem:$0x3FFD];
	_ =	sdelay $0x3  }
0x9a: {  	_ =	strace s7  }
0x9b: {  	_ =	strace $0x8FFFFFFF  }
0x9c: {  	s20 =	sld [smem:$0x3FDB];
	_ =	sdelay $0x1  }
0x9d: {  	s8 =	simm.s32 $_scs_section_size  }
0x9e: {  	s9 =	simm.s32 $_size__tile_overlayer_lowered;
	s10 =	simm.s32 $_tile_overlayer_lowered  }
0x9f: {  	s23 =	simm.s32 $0x1BFF;
	s22 =	sshll.u32 s10, $0x1;
	s7 =	sadd.s32 s8, s20  }
0xa0: {  	s11 =	simm.s32 $0x0;
	s21 =	sshll.u32 s9, $0x1;
	s9 =	sadd.s32 s22, s7  }
0xa1: {  	[timem:s11], [sflag:s23] =	dma.local [hbm:s9], s21  }
0xa2: {  	_ =	swait.ge [sflag:s23], s21  }
0xa3: {  	s8 =	ssub.s32 $0x0, s21;
	[sflag:s23] =	ssyncset.done $0x0  }
0xa4: {  	[sflag:s23] =	ssyncadd.s32 s8;
	_ =	sdelay $0x1  }
0xa5: {  	s24 =	simm.s32 $0x1B8B  }
0xa6: {  	_ =	swait.ge [sflag:s24], $0x1  }
0xa7: {  	[sflag:s24] =	ssyncset.done $0x0  }
0xa8: {  	s25 =	simm.s32 $0x1B8E;
	[sflag:s24] =	ssyncadd.s32 $0xFFFFFFFF  }
0xa9: {  	s26 =	simm.s32 $execute0_lowered;
	[smem:$0x3FD2] =	sst s25  }
0xaa: {  	s8 =	sshll.u32 s26, $0x1;
	_ =	strace $0x80000046;
	[dreg:$0x1] =	wrdreg $0xFFFFFFFF  }
0xab: {  	s28 =	simm.s32 $_size_execute0_lowered;
	s7 =	sadd.s32 s7, s8;
	[dreg:$0x0] =	wrdreg $0x0  }
0xac: {  	s8 =	sshll.u32 s28, $0x1;
	[dreg:$0x2] =	wrdreg s7  }
0xad: {  	[dreg:$0x3] =	wrdreg s8  }
0xae: {  	[dreg:$0x4] =	wrdreg $0xC0  }
0xaf: {  	_ =	task [dreg:s11], $0x5FFFF  }
0xb0: {  	[dreg:$0x1] =	wrdreg $0xFFFFFFFF  }
0xb1: {  	[dreg:$0x0] =	wrdreg $0x60  }
0xb2: {  	[dreg:$0x2] =	wrdreg s2  }
0xb3: {  	[dreg:$0x3] =	wrdreg s19  }
0xb4: {  	[dreg:$0x4] =	wrdreg s4  }
0xb5: {  	[dreg:$0x5] =	wrdreg s5  }
0xb6: {  	[dreg:$0x6] =	wrdreg s6  }
0xb7: {  	[dreg:$0x7] =	wrdreg $0x9  }
0xb8: {  	_ =	task.clear_ibuf [dreg:s11], $0x8FFFF;
	_ =	strace $0x90000046  }
0xb9: {  	s29 =	simm.s32 $0x9;
	_ =	strace $0x80000048  }
0xba: {  	_ =	swait.ge [sflag:s29], $0x1  }
0xbb: {  	[sflag:s29] =	ssyncadd.s32 $0xFFFFFFFF  }
0xbc: {  	_ =	strace $0x90000048  }
0xbd: {  	_ =	sfence  }
0xbe: {  	s30 =	sld [smem:$0x0];
	_ =	sdelay $0x2  }
0xbf: {  	s31 =	sshll.u32 s1, $0xD;
	s1 =	sshrl.u32 s1, $0x2  }
0xc0: {  	s3 =	sand.u32 $0x4000, s31;
	s1 =	sadd.s32 s1, s30  }
0xc1: {  	s0 =	sor.u32 s3, s0;
	s1 =	sshll.u32 s1, $0x11  }
0xc2: {  	s0 =	sor.u32 s1, s0  }
0xc3: {  	s0 =	sadd.s32 $0x8F2B, s0  }
0xc4: {  	[sflag:s0] =	ssyncadd.remote.s32 $0x1  }
0xc5: {  	_ =	sfence.sel $0xFFFF  }
0xc6: {  	[dreg:$0x0] =	wrdreg $0xFFFFFFFF;
	(pc) =	sbr.abs _section_cstart, $3  }
0xc7: {  	[dreg:$0x1] =	wrdreg $0xFFFFFFFF  }
0xc8: {  	_ =	task.clear_ibuf [dreg:s11], $0x2FFFF;
	_ =	strace $0x9FFFFFFF  }
0xc9: {  	(tm) =	ssettm $0x7FFFFFFF  }
tec
execute0_lowered:
.L_overlay_start_1:
0x0: {  	(tag) =	ssettag $0x1  }
0x1: {  	s0 =	rddreg [dreg:$0x0]  }
0x2: {  	s1 =	rddreg [dreg:$0x1]  }
0x3: {  	s4 =	rddreg [dreg:$0x2]  }
0x4: {  	s2 =	srdreg.scid;
	s3 =	rddreg [dreg:$0x3]  }
0x5: {  	s6 =	stileid.u32;
	s30 =	simm.s32 $0x100;
	s31 =	simm.s32 $0x200  }
0x6: {  	s5 =	sand.u32 $0x1, s2;
	[dreg:$0x6] =	wrdreg s3;
	s3 =	simm.s32 $0x0  }
0x7: {  	s9 =	sshll.u32 s6, $0x9;
	s10 =	sshll.u32 s5, $0x8;
	[smem:$0x7FF] =	sst s3  }
0x8: {  	s2 =	rddreg [dreg:$0x4];
	s6 =	sor.u32 s10, s9;
	_ =	strace $0x80000047  }
0x9: {  	[dreg:$0x18] =	wrdreg s30;
	s7 =	sshll.u32 s6, $0x8;
	s6 =	sshrl.u32 s6, $0x3  }
0xa: {  	[dreg:$0x19] =	wrdreg s31;
	s12 =	sadd.s32 s1, s6  }
0xb: {  	s13 =	sadd.s32 s4, s6;
	[dreg:$0x9] =	wrdreg s12  }
0xc: {  	s10 =	sadd.s32 s0, s7;
	[dreg:$0xa] =	wrdreg s13  }
0xd: {  	s0 =	sadd.s32 $0x1000, s10;
	[dreg:$0x1a] =	wrdreg s10  }
0xe: {  	s11 =	sadd.s32 $0x2000, s10;
	[dreg:$0x7] =	wrdreg s0  }
0xf: {  	s14 =	sadd.s32 $0x3000, s10;
	[dreg:$0x8] =	wrdreg s11  }
0x10: {  	s19 =	ssub.s32 $0x2, s5;
	s15 =	sadd.s32 $0x4000, s10;
	[dreg:$0xb] =	wrdreg s14  }
0x11: {  	s5 =	sadd.s32 $0x100, s2;
	s16 =	sadd.s32 $0x5000, s10;
	[dreg:$0xc] =	wrdreg s15  }
0x12: {  	s8 =	sadd.s32 $0x400, s2;
	s17 =	sadd.s32 $0x6000, s10;
	[dreg:$0xd] =	wrdreg s16  }
0x13: {  	s21 =	sshrl.u32 s19, $0x1;
	s18 =	sadd.s32 $0x7000, s10;
	[dreg:$0xe] =	wrdreg s17  }
0x14: {  	s9 =	sadd.s32 $0x500, s2;
	s20 =	sadd.s32 $0x8000, s10;
	[dreg:$0xf] =	wrdreg s18  }
0x15: {  	s1 =	ssub.s32 s19, s21;
	s22 =	sadd.s32 $0x9000, s10;
	[dreg:$0x10] =	wrdreg s20  }
0x16: {  	s6 =	sadd.s32 $0x200, s2;
	s23 =	sadd.s32 $0xA000, s10;
	[dreg:$0x11] =	wrdreg s22  }
0x17: {  	s7 =	sadd.s32 $0x300, s2;
	s24 =	sadd.s32 $0xB000, s10;
	[dreg:$0x12] =	wrdreg s23  }
0x18: {  	s4 =	simm.s32 $0x4;
	s25 =	sadd.s32 $0xC000, s10;
	[dreg:$0x13] =	wrdreg s24  }
0x19: {  	s19 =	simm.s32 $0x5;
	s26 =	sadd.s32 $0xD000, s10;
	[dreg:$0x14] =	wrdreg s25  }
0x1a: {  	s21 =	simm.s32 $0x6;
	s28 =	sadd.s32 $0xE000, s10;
	[dreg:$0x15] =	wrdreg s26  }
0x1b: {  	v2 =	vlaneseq.u32;
	s29 =	sadd.s32 $0xF000, s10;
	s10 =	sadd.s32 $0x600, s2;
	[dreg:$0x16] =	wrdreg s28  }
0x1c: {  	vm0 =	vmmov $0xffff;
	v1 =	vshrl.u32 v2, $0x3;
	s1 =	smax.u32 s1, $0x1;
	s11 =	sadd.s32 $0x700, s2;
	[dreg:$0x17] =	wrdreg s29  }
0x1d: {  	v0 =	vand.u32 $0x7, v2;
	v2 =	vor.u32 $0x8, v2;
	v1 =	vmul.u32 $0x8, v1;
	s17 =	simm.s32 $0x1;
	s16 =	simm.s32 $0x2;
	s20 =	simm.s32 $0x3  }
.LBB2_1:
0x1e: {  	[dreg:$0x1b] =	wrdreg s1  }
0x1f: {  	s23 =	rddreg [dreg:$0x1a];
	s0 =	simm.s32 $0x280  }
0x20: {  	[tilespmem:s0], [sflag:$0x1] =	stream.linear.gather [hbm4b:s23+s3], $0x8000, $0x38;
	[tilespmem:$0x18280] =	vst v63  }
0x21: {  	s22 =	rddreg [dreg:$0x7];
	s25 =	simm.s32 $0x8280  }
0x22: {  	[tilespmem:s25], [sflag:$0x2] =	stream.linear.gather [hbm4b:s22+s3], $0x8000, $0x38;
	[tilespmem:$0x18280] =	vst v63  }
0x23: {  	s24 =	rddreg [dreg:$0x8];
	s28 =	simm.s32 $0x10280  }
0x24: {  	[tilespmem:s28], [sflag:$0x3] =	stream.linear.gather [hbm4b:s24+s3], $0x8000, $0x38;
	[tilespmem:$0x18280] =	vst v63  }
0x25: {  	s26 =	rddreg [dreg:$0x9];
	s29 =	simm.s32 $0x7  }
0x26: {  	[tilespmem:s3], [sflag:$0x7] =	stream.linear.gather [hbm4b:s26+s3], $0x100, $0x38;
	[tilespmem:$0x18280] =	vst v63  }
0x27: {  	_ =	swait.ge [sflag:s29], $0x100  }
0x28: {  	s30 =	rddreg [dreg:$0xa];
	[sflag:s29] =	ssyncset.done $0x0  }
0x29: {  	s31 =	rddreg [dreg:$0x18];
	[sflag:s29] =	ssyncadd.s32 $0xFFFFFF00  }
0x2a: {  	[tilespmem:s31], [sflag:$0x7] =	stream.linear.gather [hbm4b:s30+s3], $0x100, $0x38;
	[tilespmem:$0x18280] =	vst v63  }
0x2b: {  	_ =	swait.ge [sflag:s29], $0x100  }
0x2c: {  	s1 =	rddreg [dreg:$0x6];
	[sflag:s29] =	ssyncset.done $0x0  }
0x2d: {  	s12 =	rddreg [dreg:$0x19];
	[sflag:s29] =	ssyncadd.s32 $0xFFFFFF00  }
0x2e: {  	[tilespmem:s12], [sflag:$0x7] =	stream.linear.gather [hbm4b:s1+s3], $0x10, $0x38;
	[tilespmem:$0x18280] =	vst v63  }
0x2f: {  	_ =	swait.ge [sflag:s29], $0x10  }
0x30: {  	[sflag:s29] =	ssyncset.done $0x0  }
0x31: {  	[sflag:s29] =	ssyncadd.s32 $0xFFFFFFF0  }
0x32: {  	v3 =	vld [tilespmem:$0x200]  }
0x33: {  	v4 =	vld [tilespmem:$0x0];
	_ =	sdelay $0x1  }
0x34: {  	v5 =	vld [tilespmem:$0x100];
	_ =	sdelay $0x2  }
0x35: {  	v4 =	vperm.xlane v3, v4;
	_ =	sdelay $0x1  }
0x36: {  	v4 =	vadd.s32 v5, v4  }
0x37: {  	v5 =	vshll.u32 v4, $0x4  }
0x38: {  	v4 =	vand.u32 $0x7, v4;
	v5 =	vand.u32 $0xFFFFFF80, v5  }
0x39: {  	v4 =	vor.u32 v4, v5  }
0x3a: {  	v5 =	vperm.xlane v4, v0;
	_ =	sdelay $0x1  }
0x3b: {  	v5 =	vadd.s32 v1, v5;
	_ =	sdelay $0x1  }
0x3c: {  	_ =	swait.ge [sflag:s17], $0x8000  }
0x3d: {  	[sflag:s17] =	ssyncset.done $0x0  }
0x3e: {  	s1 =	simm.s32 $0x280;
	[sflag:s17] =	ssyncadd.s32 $0xFFFF8000  }
0x3f: {  	[hbm4b:s2+s3] =	stream.indirect_vreg.scatter [tilespmem:s1], [sflag:$0x4], $0x80, v5, vm0, $0xb8;
	[tilespmem:$0x18280] =	vst v63  }
0x40: {  	s13 =	simm.s32 $0xA80  }
0x41: {  	[hbm4b:s5+s3] =	stream.indirect_vreg.scatter [tilespmem:s13], [sflag:$0x4], $0x80, v5, vm0, $0xb8;
	[tilespmem:$0x18280] =	vst v63  }
0x42: {  	s14 =	simm.s32 $0x1280  }
0x43: {  	[hbm4b:s6+s3] =	stream.indirect_vreg.scatter [tilespmem:s14], [sflag:$0x4], $0x80, v5, vm0, $0xb8;
	[tilespmem:$0x18280] =	vst v63  }
0x44: {  	s15 =	simm.s32 $0x1A80  }
0x45: {  	[hbm4b:s7+s3] =	stream.indirect_vreg.scatter [tilespmem:s15], [sflag:$0x4], $0x80, v5, vm0, $0xb8;
	[tilespmem:$0x18280] =	vst v63  }
0x46: {  	s18 =	simm.s32 $0x2280  }
0x47: {  	[hbm4b:s8+s3] =	stream.indirect_vreg.scatter [tilespmem:s18], [sflag:$0x4], $0x80, v5, vm0, $0xb8;
	[tilespmem:$0x18280] =	vst v63  }
0x48: {  	s22 =	simm.s32 $0x2A80;
	v4 =	vperm.xlane v4, v2  }
0x49: {  	[hbm4b:s9+s3] =	stream.indirect_vreg.scatter [tilespmem:s22], [sflag:$0x4], $0x80, v5, vm0, $0xb8;
	[tilespmem:$0x18280] =	vst v63  }
0x4a: {  	s23 =	simm.s32 $0x3280;
	v4 =	vadd.s32 v1, v4  }
0x4b: {  	[hbm4b:s10+s3] =	stream.indirect_vreg.scatter [tilespmem:s23], [sflag:$0x4], $0x80, v5, vm0, $0xb8;
	[tilespmem:$0x18280] =	vst v63  }
0x4c: {  	s24 =	simm.s32 $0x3A80  }
0x4d: {  	[hbm4b:s11+s3] =	stream.indirect_vreg.scatter [tilespmem:s24], [sflag:$0x4], $0x80, v5, vm0, $0xb8;
	[tilespmem:$0x18280] =	vst v63  }
0x4e: {  	s25 =	simm.s32 $0x4280  }
0x4f: {  	[hbm4b:s2+s3] =	stream.indirect_vreg.scatter [tilespmem:s25], [sflag:$0x4], $0x80, v4, vm0, $0xb8;
	[tilespmem:$0x18280] =	vst v63  }
0x50: {  	s26 =	simm.s32 $0x4A80  }
0x51: {  	[hbm4b:s5+s3] =	stream.indirect_vreg.scatter [tilespmem:s26], [sflag:$0x4], $0x80, v4, vm0, $0xb8;
	[tilespmem:$0x18280] =	vst v63  }
0x52: {  	s28 =	simm.s32 $0x5280  }
0x53: {  	[hbm4b:s6+s3] =	stream.indirect_vreg.scatter [tilespmem:s28], [sflag:$0x4], $0x80, v4, vm0, $0xb8;
	[tilespmem:$0x18280] =	vst v63  }
0x54: {  	s29 =	simm.s32 $0x5A80  }
0x55: {  	[hbm4b:s7+s3] =	stream.indirect_vreg.scatter [tilespmem:s29], [sflag:$0x4], $0x80, v4, vm0, $0xb8;
	[tilespmem:$0x18280] =	vst v63  }
0x56: {  	s30 =	simm.s32 $0x6280  }
0x57: {  	[hbm4b:s8+s3] =	stream.indirect_vreg.scatter [tilespmem:s30], [sflag:$0x4], $0x80, v4, vm0, $0xb8;
	[tilespmem:$0x18280] =	vst v63  }
0x58: {  	s31 =	simm.s32 $0x6A80  }
0x59: {  	[hbm4b:s9+s3] =	stream.indirect_vreg.scatter [tilespmem:s31], [sflag:$0x4], $0x80, v4, vm0, $0xb8;
	[tilespmem:$0x18280] =	vst v63  }
0x5a: {  	s12 =	simm.s32 $0x7280  }
0x5b: {  	[hbm4b:s10+s3] =	stream.indirect_vreg.scatter [tilespmem:s12], [sflag:$0x4], $0x80, v4, vm0, $0xb8;
	[tilespmem:$0x18280] =	vst v63  }
0x5c: {  	s14 =	simm.s32 $0x7A80  }
0x5d: {  	[hbm4b:s11+s3] =	stream.indirect_vreg.scatter [tilespmem:s14], [sflag:$0x4], $0x80, v4, vm0, $0xb8;
	[tilespmem:$0x18280] =	vst v63  }
0x5e: {  	_ =	swait.ge [sflag:s4], $0x8000  }
0x5f: {  	[sflag:s4] =	ssyncset.done $0x0  }
0x60: {  	s18 =	rddreg [dreg:$0xb];
	[sflag:s4] =	ssyncadd.s32 $0xFFFF8000  }
0x61: {  	[tilespmem:s1], [sflag:$0x1] =	stream.linear.gather [hbm4b:s18+s3], $0x8000, $0x38;
	[tilespmem:$0x18280] =	vst v63  }
0x62: {  	v37 =	vld [tilespmem:$0x10];
	_ =	sdelay $0x1  }
0x63: {  	v38 =	vld [tilespmem:$0x110];
	_ =	sdelay $0x2  }
0x64: {  	v4 =	vperm.xlane v3, v37;
	_ =	sdelay $0x1  }
0x65: {  	v4 =	vadd.s32 v38, v4  }
0x66: {  	v5 =	vshll.u32 v4, $0x4  }
0x67: {  	v4 =	vand.u32 $0x7, v4;
	v5 =	vand.u32 $0xFFFFFF80, v5  }
0x68: {  	v4 =	vor.u32 v4, v5  }
0x69: {  	v5 =	vperm.xlane v4, v0;
	_ =	sdelay $0x1  }
0x6a: {  	v5 =	vadd.s32 v1, v5;
	_ =	sdelay $0x1  }
0x6b: {  	_ =	swait.ge [sflag:s16], $0x8000  }
0x6c: {  	[sflag:s16] =	ssyncset.done $0x0  }
0x6d: {  	s1 =	simm.s32 $0x8280;
	[sflag:s16] =	ssyncadd.s32 $0xFFFF8000  }
0x6e: {  	[hbm4b:s2+s3] =	stream.indirect_vreg.scatter [tilespmem:s1], [sflag:$0x5], $0x80, v5, vm0, $0xb8;
	[tilespmem:$0x18280] =	vst v63  }
0x6f: {  	s24 =	simm.s32 $0x8A80  }
0x70: {  	[hbm4b:s5+s3] =	stream.indirect_vreg.scatter [tilespmem:s24], [sflag:$0x5], $0x80, v5, vm0, $0xb8;
	[tilespmem:$0x18280] =	vst v63  }
0x71: {  	s25 =	simm.s32 $0x9280  }
0x72: {  	[hbm4b:s6+s3] =	stream.indirect_vreg.scatter [tilespmem:s25], [sflag:$0x5], $0x80, v5, vm0, $0xb8;
	[tilespmem:$0x18280] =	vst v63  }
0x73: {  	s26 =	simm.s32 $0x9A80  }
0x74: {  	[hbm4b:s7+s3] =	stream.indirect_vreg.scatter [tilespmem:s26], [sflag:$0x5], $0x80, v5, vm0, $0xb8;
	[tilespmem:$0x18280] =	vst v63  }
0x75: {  	s28 =	simm.s32 $0xA280  }
0x76: {  	[hbm4b:s8+s3] =	stream.indirect_vreg.scatter [tilespmem:s28], [sflag:$0x5], $0x80, v5, vm0, $0xb8;
	[tilespmem:$0x18280] =	vst v63  }
0x77: {  	s29 =	simm.s32 $0xAA80;
	v4 =	vperm.xlane v4, v2  }
0x78: {  	[hbm4b:s9+s3] =	stream.indirect_vreg.scatter [tilespmem:s29], [sflag:$0x5], $0x80, v5, vm0, $0xb8;
	[tilespmem:$0x18280] =	vst v63  }
0x79: {  	s30 =	simm.s32 $0xB280;
	v4 =	vadd.s32 v1, v4  }
0x7a: {  	[hbm4b:s10+s3] =	stream.indirect_vreg.scatter [tilespmem:s30], [sflag:$0x5], $0x80, v5, vm0, $0xb8;
	[tilespmem:$0x18280] =	vst v63  }
0x7b: {  	s31 =	simm.s32 $0xBA80  }
0x7c: {  	[hbm4b:s11+s3] =	stream.indirect_vreg.scatter [tilespmem:s31], [sflag:$0x5], $0x80, v5, vm0, $0xb8;
	[tilespmem:$0x18280] =	vst v63  }
0x7d: {  	s12 =	simm.s32 $0xC280  }
0x7e: {  	[hbm4b:s2+s3] =	stream.indirect_vreg.scatter [tilespmem:s12], [sflag:$0x5], $0x80, v4, vm0, $0xb8;
	[tilespmem:$0x18280] =	vst v63  }
0x7f: {  	s14 =	simm.s32 $0xCA80  }
0x80: {  	[hbm4b:s5+s3] =	stream.indirect_vreg.scatter [tilespmem:s14], [sflag:$0x5], $0x80, v4, vm0, $0xb8;
	[tilespmem:$0x18280] =	vst v63  }
0x81: {  	s18 =	simm.s32 $0xD280  }
0x82: {  	[hbm4b:s6+s3] =	stream.indirect_vreg.scatter [tilespmem:s18], [sflag:$0x5], $0x80, v4, vm0, $0xb8;
	[tilespmem:$0x18280] =	vst v63  }
0x83: {  	s22 =	simm.s32 $0xDA80  }
0x84: {  	[hbm4b:s7+s3] =	stream.indirect_vreg.scatter [tilespmem:s22], [sflag:$0x5], $0x80, v4, vm0, $0xb8;
	[tilespmem:$0x18280] =	vst v63  }
0x85: {  	s24 =	simm.s32 $0xE280  }
0x86: {  	[hbm4b:s8+s3] =	stream.indirect_vreg.scatter [tilespmem:s24], [sflag:$0x5], $0x80, v4, vm0, $0xb8;
	[tilespmem:$0x18280] =	vst v63  }
0x87: {  	s25 =	simm.s32 $0xEA80  }
0x88: {  	[hbm4b:s9+s3] =	stream.indirect_vreg.scatter [tilespmem:s25], [sflag:$0x5], $0x80, v4, vm0, $0xb8;
	[tilespmem:$0x18280] =	vst v63  }
0x89: {  	s26 =	simm.s32 $0xF280  }
0x8a: {  	[hbm4b:s10+s3] =	stream.indirect_vreg.scatter [tilespmem:s26], [sflag:$0x5], $0x80, v4, vm0, $0xb8;
	[tilespmem:$0x18280] =	vst v63  }
0x8b: {  	s28 =	simm.s32 $0xFA80  }
0x8c: {  	[hbm4b:s11+s3] =	stream.indirect_vreg.scatter [tilespmem:s28], [sflag:$0x5], $0x80, v4, vm0, $0xb8;
	[tilespmem:$0x18280] =	vst v63  }
0x8d: {  	_ =	swait.ge [sflag:s19], $0x8000  }
0x8e: {  	[sflag:s19] =	ssyncset.done $0x0  }
0x8f: {  	s29 =	rddreg [dreg:$0xc];
	[sflag:s19] =	ssyncadd.s32 $0xFFFF8000  }
0x90: {  	[tilespmem:s1], [sflag:$0x2] =	stream.linear.gather [hbm4b:s29+s3], $0x8000, $0x38;
	[tilespmem:$0x18280] =	vst v63  }
0x91: {  	v39 =	vld [tilespmem:$0x20];
	_ =	sdelay $0x1  }
0x92: {  	v40 =	vld [tilespmem:$0x120];
	_ =	sdelay $0x2  }
0x93: {  	v4 =	vperm.xlane v3, v39;
	_ =	sdelay $0x1  }
0x94: {  	v4 =	vadd.s32 v40, v4  }
0x95: {  	v5 =	vshll.u32 v4, $0x4  }
0x96: {  	v4 =	vand.u32 $0x7, v4;
	v5 =	vand.u32 $0xFFFFFF80, v5  }
0x97: {  	v4 =	vor.u32 v4, v5  }
0x98: {  	v5 =	vperm.xlane v4, v0;
	_ =	sdelay $0x1  }
0x99: {  	v5 =	vadd.s32 v1, v5;
	_ =	sdelay $0x1  }
0x9a: {  	_ =	swait.ge [sflag:s20], $0x8000  }
0x9b: {  	[sflag:s20] =	ssyncset.done $0x0  }
0x9c: {  	s0 =	simm.s32 $0x10280;
	[sflag:s20] =	ssyncadd.s32 $0xFFFF8000  }
0x9d: {  	[hbm4b:s2+s3] =	stream.indirect_vreg.scatter [tilespmem:s0], [sflag:$0x6], $0x80, v5, vm0, $0xb8;
	[tilespmem:$0x18280] =	vst v63  }
0x9e: {  	s30 =	simm.s32 $0x10A80  }
0x9f: {  	[hbm4b:s5+s3] =	stream.indirect_vreg.scatter [tilespmem:s30], [sflag:$0x6], $0x80, v5, vm0, $0xb8;
	[tilespmem:$0x18280] =	vst v63  }
0xa0: {  	s31 =	simm.s32 $0x11280  }
0xa1: {  	[hbm4b:s6+s3] =	stream.indirect_vreg.scatter [tilespmem:s31], [sflag:$0x6], $0x80, v5, vm0, $0xb8;
	[tilespmem:$0x18280] =	vst v63  }
0xa2: {  	s12 =	simm.s32 $0x11A80  }
0xa3: {  	[hbm4b:s7+s3] =	stream.indirect_vreg.scatter [tilespmem:s12], [sflag:$0x6], $0x80, v5, vm0, $0xb8;
	[tilespmem:$0x18280] =	vst v63  }
0xa4: {  	s14 =	simm.s32 $0x12280  }
0xa5: {  	[hbm4b:s8+s3] =	stream.indirect_vreg.scatter [tilespmem:s14], [sflag:$0x6], $0x80, v5, vm0, $0xb8;
	[tilespmem:$0x18280] =	vst v63  }
0xa6: {  	s18 =	simm.s32 $0x12A80;
	v4 =	vperm.xlane v4, v2  }
0xa7: {  	[hbm4b:s9+s3] =	stream.indirect_vreg.scatter [tilespmem:s18], [sflag:$0x6], $0x80, v5, vm0, $0xb8;
	[tilespmem:$0x18280] =	vst v63  }
0xa8: {  	s22 =	simm.s32 $0x13280;
	v4 =	vadd.s32 v1, v4  }
0xa9: {  	[hbm4b:s10+s3] =	stream.indirect_vreg.scatter [tilespmem:s22], [sflag:$0x6], $0x80, v5, vm0, $0xb8;
	[tilespmem:$0x18280] =	vst v63  }
0xaa: {  	s24 =	simm.s32 $0x13A80  }
0xab: {  	[hbm4b:s11+s3] =	stream.indirect_vreg.scatter [tilespmem:s24], [sflag:$0x6], $0x80, v5, vm0, $0xb8;
	[tilespmem:$0x18280] =	vst v63  }
0xac: {  	s25 =	simm.s32 $0x14280  }
0xad: {  	[hbm4b:s2+s3] =	stream.indirect_vreg.scatter [tilespmem:s25], [sflag:$0x6], $0x80, v4, vm0, $0xb8;
	[tilespmem:$0x18280] =	vst v63  }
0xae: {  	s26 =	simm.s32 $0x14A80  }
0xaf: {  	[hbm4b:s5+s3] =	stream.indirect_vreg.scatter [tilespmem:s26], [sflag:$0x6], $0x80, v4, vm0, $0xb8;
	[tilespmem:$0x18280] =	vst v63  }
0xb0: {  	s28 =	simm.s32 $0x15280  }
0xb1: {  	[hbm4b:s6+s3] =	stream.indirect_vreg.scatter [tilespmem:s28], [sflag:$0x6], $0x80, v4, vm0, $0xb8;
	[tilespmem:$0x18280] =	vst v63  }
0xb2: {  	s29 =	simm.s32 $0x15A80  }
0xb3: {  	[hbm4b:s7+s3] =	stream.indirect_vreg.scatter [tilespmem:s29], [sflag:$0x6], $0x80, v4, vm0, $0xb8;
	[tilespmem:$0x18280] =	vst v63  }
0xb4: {  	s30 =	simm.s32 $0x16280  }
0xb5: {  	[hbm4b:s8+s3] =	stream.indirect_vreg.scatter [tilespmem:s30], [sflag:$0x6], $0x80, v4, vm0, $0xb8;
	[tilespmem:$0x18280] =	vst v63  }
0xb6: {  	s31 =	simm.s32 $0x16A80  }
0xb7: {  	[hbm4b:s9+s3] =	stream.indirect_vreg.scatter [tilespmem:s31], [sflag:$0x6], $0x80, v4, vm0, $0xb8;
	[tilespmem:$0x18280] =	vst v63  }
0xb8: {  	s12 =	simm.s32 $0x17280  }
0xb9: {  	[hbm4b:s10+s3] =	stream.indirect_vreg.scatter [tilespmem:s12], [sflag:$0x6], $0x80, v4, vm0, $0xb8;
	[tilespmem:$0x18280] =	vst v63  }
0xba: {  	s14 =	simm.s32 $0x17A80  }
0xbb: {  	[hbm4b:s11+s3] =	stream.indirect_vreg.scatter [tilespmem:s14], [sflag:$0x6], $0x80, v4, vm0, $0xb8;
	[tilespmem:$0x18280] =	vst v63  }
0xbc: {  	_ =	swait.ge [sflag:s21], $0x8000  }
0xbd: {  	[sflag:s21] =	ssyncset.done $0x0  }
0xbe: {  	s18 =	rddreg [dreg:$0xd];
	[sflag:s21] =	ssyncadd.s32 $0xFFFF8000  }
0xbf: {  	[tilespmem:s0], [sflag:$0x3] =	stream.linear.gather [hbm4b:s18+s3], $0x8000, $0x38;
	[tilespmem:$0x18280] =	vst v63  }
0xc0: {  	v41 =	vld [tilespmem:$0x30];
	_ =	sdelay $0x1  }
0xc1: {  	v42 =	vld [tilespmem:$0x130];
	_ =	sdelay $0x2  }
0xc2: {  	v4 =	vperm.xlane v3, v41;
	_ =	sdelay $0x1  }
0xc3: {  	v4 =	vadd.s32 v42, v4  }
0xc4: {  	v5 =	vshll.u32 v4, $0x4  }
0xc5: {  	v4 =	vand.u32 $0x7, v4;
	v5 =	vand.u32 $0xFFFFFF80, v5  }
0xc6: {  	v4 =	vor.u32 v4, v5  }
0xc7: {  	v5 =	vperm.xlane v4, v0;
	_ =	sdelay $0x1  }
0xc8: {  	v5 =	vadd.s32 v1, v5;
	_ =	sdelay $0x1  }
0xc9: {  	_ =	swait.ge [sflag:s17], $0x8000  }
0xca: {  	[sflag:s17] =	ssyncset.done $0x0  }
0xcb: {  	s12 =	simm.s32 $0x280;
	[sflag:s17] =	ssyncadd.s32 $0xFFFF8000  }
0xcc: {  	[hbm4b:s2+s3] =	stream.indirect_vreg.scatter [tilespmem:s12], [sflag:$0x4], $0x80, v5, vm0, $0xb8;
	[tilespmem:$0x18280] =	vst v63  }
0xcd: {  	s22 =	simm.s32 $0xA80  }
0xce: {  	[hbm4b:s5+s3] =	stream.indirect_vreg.scatter [tilespmem:s22], [sflag:$0x4], $0x80, v5, vm0, $0xb8;
	[tilespmem:$0x18280] =	vst v63  }
0xcf: {  	s1 =	simm.s32 $0x1280  }
0xd0: {  	[hbm4b:s6+s3] =	stream.indirect_vreg.scatter [tilespmem:s1], [sflag:$0x4], $0x80, v5, vm0, $0xb8;
	[tilespmem:$0x18280] =	vst v63  }
0xd1: {  	s14 =	simm.s32 $0x1A80  }
0xd2: {  	[hbm4b:s7+s3] =	stream.indirect_vreg.scatter [tilespmem:s14], [sflag:$0x4], $0x80, v5, vm0, $0xb8;
	[tilespmem:$0x18280] =	vst v63  }
0xd3: {  	s13 =	simm.s32 $0x2280  }
0xd4: {  	[hbm4b:s8+s3] =	stream.indirect_vreg.scatter [tilespmem:s13], [sflag:$0x4], $0x80, v5, vm0, $0xb8;
	[tilespmem:$0x18280] =	vst v63  }
0xd5: {  	s15 =	simm.s32 $0x2A80;
	v4 =	vperm.xlane v4, v2  }
0xd6: {  	[hbm4b:s9+s3] =	stream.indirect_vreg.scatter [tilespmem:s15], [sflag:$0x4], $0x80, v5, vm0, $0xb8;
	[tilespmem:$0x18280] =	vst v63  }
0xd7: {  	s18 =	simm.s32 $0x3280;
	v4 =	vadd.s32 v1, v4  }
0xd8: {  	[hbm4b:s10+s3] =	stream.indirect_vreg.scatter [tilespmem:s18], [sflag:$0x4], $0x80, v5, vm0, $0xb8;
	[tilespmem:$0x18280] =	vst v63  }
0xd9: {  	s24 =	simm.s32 $0x3A80  }
0xda: {  	[hbm4b:s11+s3] =	stream.indirect_vreg.scatter [tilespmem:s24], [sflag:$0x4], $0x80, v5, vm0, $0xb8;
	[tilespmem:$0x18280] =	vst v63  }
0xdb: {  	s25 =	simm.s32 $0x4280  }
0xdc: {  	[hbm4b:s2+s3] =	stream.indirect_vreg.scatter [tilespmem:s25], [sflag:$0x4], $0x80, v4, vm0, $0xb8;
	[tilespmem:$0x18280] =	vst v63  }
0xdd: {  	s26 =	simm.s32 $0x4A80  }
0xde: {  	[hbm4b:s5+s3] =	stream.indirect_vreg.scatter [tilespmem:s26], [sflag:$0x4], $0x80, v4, vm0, $0xb8;
	[tilespmem:$0x18280] =	vst v63  }
0xdf: {  	s28 =	simm.s32 $0x5280  }
0xe0: {  	[hbm4b:s6+s3] =	stream.indirect_vreg.scatter [tilespmem:s28], [sflag:$0x4], $0x80, v4, vm0, $0xb8;
	[tilespmem:$0x18280] =	vst v63  }
0xe1: {  	s29 =	simm.s32 $0x5A80  }
0xe2: {  	[hbm4b:s7+s3] =	stream.indirect_vreg.scatter [tilespmem:s29], [sflag:$0x4], $0x80, v4, vm0, $0xb8;
	[tilespmem:$0x18280] =	vst v63  }
0xe3: {  	s30 =	simm.s32 $0x6280  }
0xe4: {  	[hbm4b:s8+s3] =	stream.indirect_vreg.scatter [tilespmem:s30], [sflag:$0x4], $0x80, v4, vm0, $0xb8;
	[tilespmem:$0x18280] =	vst v63  }
0xe5: {  	s31 =	simm.s32 $0x6A80  }
0xe6: {  	[hbm4b:s9+s3] =	stream.indirect_vreg.scatter [tilespmem:s31], [sflag:$0x4], $0x80, v4, vm0, $0xb8;
	[tilespmem:$0x18280] =	vst v63  }
0xe7: {  	s13 =	simm.s32 $0x7280  }
0xe8: {  	[hbm4b:s10+s3] =	stream.indirect_vreg.scatter [tilespmem:s13], [sflag:$0x4], $0x80, v4, vm0, $0xb8;
	[tilespmem:$0x18280] =	vst v63  }
0xe9: {  	s23 =	simm.s32 $0x7A80  }
0xea: {  	[hbm4b:s11+s3] =	stream.indirect_vreg.scatter [tilespmem:s23], [sflag:$0x4], $0x80, v4, vm0, $0xb8;
	[tilespmem:$0x18280] =	vst v63  }
0xeb: {  	_ =	swait.ge [sflag:s4], $0x8000  }
0xec: {  	[sflag:s4] =	ssyncset.done $0x0  }
0xed: {  	s23 =	rddreg [dreg:$0xe];
	[sflag:s4] =	ssyncadd.s32 $0xFFFF8000  }
0xee: {  	[tilespmem:s12], [sflag:$0x1] =	stream.linear.gather [hbm4b:s23+s3], $0x8000, $0x38;
	[tilespmem:$0x18280] =	vst v63  }
0xef: {  	v43 =	vld [tilespmem:$0x40];
	_ =	sdelay $0x1  }
0xf0: {  	v44 =	vld [tilespmem:$0x140];
	_ =	sdelay $0x2  }
0xf1: {  	v4 =	vperm.xlane v3, v43;
	_ =	sdelay $0x1  }
0xf2: {  	v4 =	vadd.s32 v44, v4  }
0xf3: {  	v5 =	vshll.u32 v4, $0x4  }
0xf4: {  	v4 =	vand.u32 $0x7, v4;
	v5 =	vand.u32 $0xFFFFFF80, v5  }
0xf5: {  	v4 =	vor.u32 v4, v5  }
0xf6: {  	v5 =	vperm.xlane v4, v0;
	_ =	sdelay $0x1  }
0xf7: {  	v5 =	vadd.s32 v1, v5;
	_ =	sdelay $0x1  }
0xf8: {  	_ =	swait.ge [sflag:s16], $0x8000  }
0xf9: {  	[sflag:s16] =	ssyncset.done $0x0  }
0xfa: {  	s0 =	simm.s32 $0x8280;
	[sflag:s16] =	ssyncadd.s32 $0xFFFF8000  }
0xfb: {  	[hbm4b:s2+s3] =	stream.indirect_vreg.scatter [tilespmem:s0], [sflag:$0x5], $0x80, v5, vm0, $0xb8;
	[tilespmem:$0x18280] =	vst v63  }
0xfc: {  	s12 =	simm.s32 $0x8A80  }
0xfd: {  	[hbm4b:s5+s3] =	stream.indirect_vreg.scatter [tilespmem:s12], [sflag:$0x5], $0x80, v5, vm0, $0xb8;
	[tilespmem:$0x18280] =	vst v63  }
0xfe: {  	s15 =	simm.s32 $0x9280  }
0xff: {  	[hbm4b:s6+s3] =	stream.indirect_vreg.scatter [tilespmem:s15], [sflag:$0x5], $0x80, v5, vm0, $0xb8;
	[tilespmem:$0x18280] =	vst v63  }
0x100: {  	s23 =	simm.s32 $0x9A80  }
0x101: {  	[hbm4b:s7+s3] =	stream.indirect_vreg.scatter [tilespmem:s23], [sflag:$0x5], $0x80, v5, vm0, $0xb8;
	[tilespmem:$0x18280] =	vst v63  }
0x102: {  	s22 =	simm.s32 $0xA280  }
0x103: {  	[hbm4b:s8+s3] =	stream.indirect_vreg.scatter [tilespmem:s22], [sflag:$0x5], $0x80, v5, vm0, $0xb8;
	[tilespmem:$0x18280] =	vst v63  }
0x104: {  	v4 =	vperm.xlane v4, v2;
	s22 =	simm.s32 $0xAA80  }
0x105: {  	[hbm4b:s9+s3] =	stream.indirect_vreg.scatter [tilespmem:s22], [sflag:$0x5], $0x80, v5, vm0, $0xb8;
	[tilespmem:$0x18280] =	vst v63  }
0x106: {  	v4 =	vadd.s32 v1, v4;
	s22 =	simm.s32 $0xB280  }
0x107: {  	[hbm4b:s10+s3] =	stream.indirect_vreg.scatter [tilespmem:s22], [sflag:$0x5], $0x80, v5, vm0, $0xb8;
	[tilespmem:$0x18280] =	vst v63  }
0x108: {  	s22 =	simm.s32 $0xBA80  }
0x109: {  	[hbm4b:s11+s3] =	stream.indirect_vreg.scatter [tilespmem:s22], [sflag:$0x5], $0x80, v5, vm0, $0xb8;
	[tilespmem:$0x18280] =	vst v63  }
0x10a: {  	s22 =	simm.s32 $0xC280  }
0x10b: {  	[hbm4b:s2+s3] =	stream.indirect_vreg.scatter [tilespmem:s22], [sflag:$0x5], $0x80, v4, vm0, $0xb8;
	[tilespmem:$0x18280] =	vst v63  }
0x10c: {  	s22 =	simm.s32 $0xCA80  }
0x10d: {  	[hbm4b:s5+s3] =	stream.indirect_vreg.scatter [tilespmem:s22], [sflag:$0x5], $0x80, v4, vm0, $0xb8;
	[tilespmem:$0x18280] =	vst v63  }
0x10e: {  	s22 =	simm.s32 $0xD280  }
0x10f: {  	[hbm4b:s6+s3] =	stream.indirect_vreg.scatter [tilespmem:s22], [sflag:$0x5], $0x80, v4, vm0, $0xb8;
	[tilespmem:$0x18280] =	vst v63  }
0x110: {  	s22 =	simm.s32 $0xDA80  }
0x111: {  	[hbm4b:s7+s3] =	stream.indirect_vreg.scatter [tilespmem:s22], [sflag:$0x5], $0x80, v4, vm0, $0xb8;
	[tilespmem:$0x18280] =	vst v63  }
0x112: {  	s22 =	simm.s32 $0xE280  }
0x113: {  	[hbm4b:s8+s3] =	stream.indirect_vreg.scatter [tilespmem:s22], [sflag:$0x5], $0x80, v4, vm0, $0xb8;
	[tilespmem:$0x18280] =	vst v63  }
0x114: {  	s22 =	simm.s32 $0xEA80  }
0x115: {  	[hbm4b:s9+s3] =	stream.indirect_vreg.scatter [tilespmem:s22], [sflag:$0x5], $0x80, v4, vm0, $0xb8;
	[tilespmem:$0x18280] =	vst v63  }
0x116: {  	s22 =	simm.s32 $0xF280  }
0x117: {  	[hbm4b:s10+s3] =	stream.indirect_vreg.scatter [tilespmem:s22], [sflag:$0x5], $0x80, v4, vm0, $0xb8;
	[tilespmem:$0x18280] =	vst v63  }
0x118: {  	s22 =	simm.s32 $0xFA80  }
0x119: {  	[hbm4b:s11+s3] =	stream.indirect_vreg.scatter [tilespmem:s22], [sflag:$0x5], $0x80, v4, vm0, $0xb8;
	[tilespmem:$0x18280] =	vst v63  }
0x11a: {  	_ =	swait.ge [sflag:s19], $0x8000  }
0x11b: {  	[sflag:s19] =	ssyncset.done $0x0  }
0x11c: {  	s22 =	rddreg [dreg:$0xf];
	[sflag:s19] =	ssyncadd.s32 $0xFFFF8000  }
0x11d: {  	[tilespmem:s0], [sflag:$0x2] =	stream.linear.gather [hbm4b:s22+s3], $0x8000, $0x38;
	[tilespmem:$0x18280] =	vst v63  }
0x11e: {  	v45 =	vld [tilespmem:$0x50];
	_ =	sdelay $0x1  }
0x11f: {  	v46 =	vld [tilespmem:$0x150];
	_ =	sdelay $0x2  }
0x120: {  	v4 =	vperm.xlane v3, v45;
	_ =	sdelay $0x1  }
0x121: {  	v4 =	vadd.s32 v46, v4  }
0x122: {  	v5 =	vshll.u32 v4, $0x4  }
0x123: {  	v4 =	vand.u32 $0x7, v4;
	v5 =	vand.u32 $0xFFFFFF80, v5  }
0x124: {  	v4 =	vor.u32 v4, v5  }
0x125: {  	v5 =	vperm.xlane v4, v0;
	_ =	sdelay $0x1  }
0x126: {  	v5 =	vadd.s32 v1, v5;
	_ =	sdelay $0x1  }
0x127: {  	_ =	swait.ge [sflag:s20], $0x8000  }
0x128: {  	[sflag:s20] =	ssyncset.done $0x0  }
0x129: {  	s0 =	simm.s32 $0x10280;
	[sflag:s20] =	ssyncadd.s32 $0xFFFF8000  }
0x12a: {  	[hbm4b:s2+s3] =	stream.indirect_vreg.scatter [tilespmem:s0], [sflag:$0x6], $0x80, v5, vm0, $0xb8;
	[tilespmem:$0x18280] =	vst v63  }
0x12b: {  	s22 =	simm.s32 $0x10A80  }
0x12c: {  	[hbm4b:s5+s3] =	stream.indirect_vreg.scatter [tilespmem:s22], [sflag:$0x6], $0x80, v5, vm0, $0xb8;
	[tilespmem:$0x18280] =	vst v63  }
0x12d: {  	s22 =	simm.s32 $0x11280  }
0x12e: {  	[hbm4b:s6+s3] =	stream.indirect_vreg.scatter [tilespmem:s22], [sflag:$0x6], $0x80, v5, vm0, $0xb8;
	[tilespmem:$0x18280] =	vst v63  }
0x12f: {  	s22 =	simm.s32 $0x11A80  }
0x130: {  	[hbm4b:s7+s3] =	stream.indirect_vreg.scatter [tilespmem:s22], [sflag:$0x6], $0x80, v5, vm0, $0xb8;
	[tilespmem:$0x18280] =	vst v63  }
0x131: {  	s22 =	simm.s32 $0x12280  }
0x132: {  	[hbm4b:s8+s3] =	stream.indirect_vreg.scatter [tilespmem:s22], [sflag:$0x6], $0x80, v5, vm0, $0xb8;
	[tilespmem:$0x18280] =	vst v63  }
0x133: {  	v4 =	vperm.xlane v4, v2;
	s22 =	simm.s32 $0x12A80  }
0x134: {  	[hbm4b:s9+s3] =	stream.indirect_vreg.scatter [tilespmem:s22], [sflag:$0x6], $0x80, v5, vm0, $0xb8;
	[tilespmem:$0x18280] =	vst v63  }
0x135: {  	v4 =	vadd.s32 v1, v4;
	s22 =	simm.s32 $0x13280  }
0x136: {  	[hbm4b:s10+s3] =	stream.indirect_vreg.scatter [tilespmem:s22], [sflag:$0x6], $0x80, v5, vm0, $0xb8;
	[tilespmem:$0x18280] =	vst v63  }
0x137: {  	s22 =	simm.s32 $0x13A80  }
0x138: {  	[hbm4b:s11+s3] =	stream.indirect_vreg.scatter [tilespmem:s22], [sflag:$0x6], $0x80, v5, vm0, $0xb8;
	[tilespmem:$0x18280] =	vst v63  }
0x139: {  	s22 =	simm.s32 $0x14280  }
0x13a: {  	[hbm4b:s2+s3] =	stream.indirect_vreg.scatter [tilespmem:s22], [sflag:$0x6], $0x80, v4, vm0, $0xb8;
	[tilespmem:$0x18280] =	vst v63  }
0x13b: {  	s22 =	simm.s32 $0x14A80  }
0x13c: {  	[hbm4b:s5+s3] =	stream.indirect_vreg.scatter [tilespmem:s22], [sflag:$0x6], $0x80, v4, vm0, $0xb8;
	[tilespmem:$0x18280] =	vst v63  }
0x13d: {  	s22 =	simm.s32 $0x15280  }
0x13e: {  	[hbm4b:s6+s3] =	stream.indirect_vreg.scatter [tilespmem:s22], [sflag:$0x6], $0x80, v4, vm0, $0xb8;
	[tilespmem:$0x18280] =	vst v63  }
0x13f: {  	s22 =	simm.s32 $0x15A80  }
0x140: {  	[hbm4b:s7+s3] =	stream.indirect_vreg.scatter [tilespmem:s22], [sflag:$0x6], $0x80, v4, vm0, $0xb8;
	[tilespmem:$0x18280] =	vst v63  }
0x141: {  	s22 =	simm.s32 $0x16280  }
0x142: {  	[hbm4b:s8+s3] =	stream.indirect_vreg.scatter [tilespmem:s22], [sflag:$0x6], $0x80, v4, vm0, $0xb8;
	[tilespmem:$0x18280] =	vst v63  }
0x143: {  	s22 =	simm.s32 $0x16A80  }
0x144: {  	[hbm4b:s9+s3] =	stream.indirect_vreg.scatter [tilespmem:s22], [sflag:$0x6], $0x80, v4, vm0, $0xb8;
	[tilespmem:$0x18280] =	vst v63  }
0x145: {  	s22 =	simm.s32 $0x17280  }
0x146: {  	[hbm4b:s10+s3] =	stream.indirect_vreg.scatter [tilespmem:s22], [sflag:$0x6], $0x80, v4, vm0, $0xb8;
	[tilespmem:$0x18280] =	vst v63  }
0x147: {  	s22 =	simm.s32 $0x17A80  }
0x148: {  	[hbm4b:s11+s3] =	stream.indirect_vreg.scatter [tilespmem:s22], [sflag:$0x6], $0x80, v4, vm0, $0xb8;
	[tilespmem:$0x18280] =	vst v63  }
0x149: {  	_ =	swait.ge [sflag:s21], $0x8000  }
0x14a: {  	[sflag:s21] =	ssyncset.done $0x0  }
0x14b: {  	s22 =	rddreg [dreg:$0x10];
	[sflag:s21] =	ssyncadd.s32 $0xFFFF8000  }
0x14c: {  	[tilespmem:s0], [sflag:$0x3] =	stream.linear.gather [hbm4b:s22+s3], $0x8000, $0x38;
	[tilespmem:$0x18280] =	vst v63  }
0x14d: {  	v47 =	vld [tilespmem:$0x60];
	_ =	sdelay $0x1  }
0x14e: {  	v48 =	vld [tilespmem:$0x160];
	_ =	sdelay $0x2  }
0x14f: {  	v4 =	vperm.xlane v3, v47;
	_ =	sdelay $0x1  }
0x150: {  	v4 =	vadd.s32 v48, v4  }
0x151: {  	v5 =	vshll.u32 v4, $0x4  }
0x152: {  	v4 =	vand.u32 $0x7, v4;
	v5 =	vand.u32 $0xFFFFFF80, v5  }
0x153: {  	v4 =	vor.u32 v4, v5  }
0x154: {  	v5 =	vperm.xlane v4, v0;
	_ =	sdelay $0x1  }
0x155: {  	v5 =	vadd.s32 v1, v5;
	_ =	sdelay $0x1  }
0x156: {  	_ =	swait.ge [sflag:s17], $0x8000  }
0x157: {  	[sflag:s17] =	ssyncset.done $0x0  }
0x158: {  	s0 =	simm.s32 $0x280;
	[sflag:s17] =	ssyncadd.s32 $0xFFFF8000  }
0x159: {  	[hbm4b:s2+s3] =	stream.indirect_vreg.scatter [tilespmem:s0], [sflag:$0x4], $0x80, v5, vm0, $0xb8;
	[tilespmem:$0x18280] =	vst v63  }
0x15a: {  	s22 =	simm.s32 $0xA80  }
0x15b: {  	[hbm4b:s5+s3] =	stream.indirect_vreg.scatter [tilespmem:s22], [sflag:$0x4], $0x80, v5, vm0, $0xb8;
	[tilespmem:$0x18280] =	vst v63  }
0x15c: {  	_ = 	snop  }
0x15d: {  	[hbm4b:s6+s3] =	stream.indirect_vreg.scatter [tilespmem:s1], [sflag:$0x4], $0x80, v5, vm0, $0xb8;
	[tilespmem:$0x18280] =	vst v63  }
0x15e: {  	_ = 	snop  }
0x15f: {  	[hbm4b:s7+s3] =	stream.indirect_vreg.scatter [tilespmem:s14], [sflag:$0x4], $0x80, v5, vm0, $0xb8;
	[tilespmem:$0x18280] =	vst v63  }
0x160: {  	s1 =	simm.s32 $0x2280  }
0x161: {  	[hbm4b:s8+s3] =	stream.indirect_vreg.scatter [tilespmem:s1], [sflag:$0x4], $0x80, v5, vm0, $0xb8;
	[tilespmem:$0x18280] =	vst v63  }
0x162: {  	v4 =	vperm.xlane v4, v2;
	s14 =	simm.s32 $0x2A80  }
0x163: {  	[hbm4b:s9+s3] =	stream.indirect_vreg.scatter [tilespmem:s14], [sflag:$0x4], $0x80, v5, vm0, $0xb8;
	[tilespmem:$0x18280] =	vst v63  }
0x164: {  	v4 =	vadd.s32 v1, v4  }
0x165: {  	[hbm4b:s10+s3] =	stream.indirect_vreg.scatter [tilespmem:s18], [sflag:$0x4], $0x80, v5, vm0, $0xb8;
	[tilespmem:$0x18280] =	vst v63  }
0x166: {  	_ = 	snop  }
0x167: {  	[hbm4b:s11+s3] =	stream.indirect_vreg.scatter [tilespmem:s24], [sflag:$0x4], $0x80, v5, vm0, $0xb8;
	[tilespmem:$0x18280] =	vst v63  }
0x168: {  	_ = 	snop  }
0x169: {  	[hbm4b:s2+s3] =	stream.indirect_vreg.scatter [tilespmem:s25], [sflag:$0x4], $0x80, v4, vm0, $0xb8;
	[tilespmem:$0x18280] =	vst v63  }
0x16a: {  	_ = 	snop  }
0x16b: {  	[hbm4b:s5+s3] =	stream.indirect_vreg.scatter [tilespmem:s26], [sflag:$0x4], $0x80, v4, vm0, $0xb8;
	[tilespmem:$0x18280] =	vst v63  }
0x16c: {  	_ = 	snop  }
0x16d: {  	[hbm4b:s6+s3] =	stream.indirect_vreg.scatter [tilespmem:s28], [sflag:$0x4], $0x80, v4, vm0, $0xb8;
	[tilespmem:$0x18280] =	vst v63  }
0x16e: {  	_ = 	snop  }
0x16f: {  	[hbm4b:s7+s3] =	stream.indirect_vreg.scatter [tilespmem:s29], [sflag:$0x4], $0x80, v4, vm0, $0xb8;
	[tilespmem:$0x18280] =	vst v63  }
0x170: {  	_ = 	snop  }
0x171: {  	[hbm4b:s8+s3] =	stream.indirect_vreg.scatter [tilespmem:s30], [sflag:$0x4], $0x80, v4, vm0, $0xb8;
	[tilespmem:$0x18280] =	vst v63  }
0x172: {  	_ = 	snop  }
0x173: {  	[hbm4b:s9+s3] =	stream.indirect_vreg.scatter [tilespmem:s31], [sflag:$0x4], $0x80, v4, vm0, $0xb8;
	[tilespmem:$0x18280] =	vst v63  }
0x174: {  	_ = 	snop  }
0x175: {  	[hbm4b:s10+s3] =	stream.indirect_vreg.scatter [tilespmem:s13], [sflag:$0x4], $0x80, v4, vm0, $0xb8;
	[tilespmem:$0x18280] =	vst v63  }
0x176: {  	s13 =	simm.s32 $0x7A80  }
0x177: {  	[hbm4b:s11+s3] =	stream.indirect_vreg.scatter [tilespmem:s13], [sflag:$0x4], $0x80, v4, vm0, $0xb8;
	[tilespmem:$0x18280] =	vst v63  }
0x178: {  	_ =	swait.ge [sflag:s4], $0x8000  }
0x179: {  	[sflag:s4] =	ssyncset.done $0x0  }
0x17a: {  	s28 =	rddreg [dreg:$0x11];
	[sflag:s4] =	ssyncadd.s32 $0xFFFF8000  }
0x17b: {  	[tilespmem:s0], [sflag:$0x1] =	stream.linear.gather [hbm4b:s28+s3], $0x8000, $0x38;
	[tilespmem:$0x18280] =	vst v63  }
0x17c: {  	v49 =	vld [tilespmem:$0x70];
	_ =	sdelay $0x1  }
0x17d: {  	v50 =	vld [tilespmem:$0x170];
	_ =	sdelay $0x2  }
0x17e: {  	v4 =	vperm.xlane v3, v49;
	_ =	sdelay $0x1  }
0x17f: {  	v4 =	vadd.s32 v50, v4  }
0x180: {  	v5 =	vshll.u32 v4, $0x4  }
0x181: {  	v4 =	vand.u32 $0x7, v4;
	v5 =	vand.u32 $0xFFFFFF80, v5  }
0x182: {  	v4 =	vor.u32 v4, v5  }
0x183: {  	v5 =	vperm.xlane v4, v0;
	_ =	sdelay $0x1  }
0x184: {  	v5 =	vadd.s32 v1, v5;
	_ =	sdelay $0x1  }
0x185: {  	_ =	swait.ge [sflag:s16], $0x8000  }
0x186: {  	[sflag:s16] =	ssyncset.done $0x0  }
0x187: {  	s0 =	simm.s32 $0x8280;
	[sflag:s16] =	ssyncadd.s32 $0xFFFF8000  }
0x188: {  	[hbm4b:s2+s3] =	stream.indirect_vreg.scatter [tilespmem:s0], [sflag:$0x5], $0x80, v5, vm0, $0xb8;
	[tilespmem:$0x18280] =	vst v63  }
0x189: {  	_ = 	snop  }
0x18a: {  	[hbm4b:s5+s3] =	stream.indirect_vreg.scatter [tilespmem:s12], [sflag:$0x5], $0x80, v5, vm0, $0xb8;
	[tilespmem:$0x18280] =	vst v63  }
0x18b: {  	_ = 	snop  }
0x18c: {  	[hbm4b:s6+s3] =	stream.indirect_vreg.scatter [tilespmem:s15], [sflag:$0x5], $0x80, v5, vm0, $0xb8;
	[tilespmem:$0x18280] =	vst v63  }
0x18d: {  	_ = 	snop  }
0x18e: {  	[hbm4b:s7+s3] =	stream.indirect_vreg.scatter [tilespmem:s23], [sflag:$0x5], $0x80, v5, vm0, $0xb8;
	[tilespmem:$0x18280] =	vst v63  }
0x18f: {  	s29 =	simm.s32 $0xA280  }
0x190: {  	[hbm4b:s8+s3] =	stream.indirect_vreg.scatter [tilespmem:s29], [sflag:$0x5], $0x80, v5, vm0, $0xb8;
	[tilespmem:$0x18280] =	vst v63  }
0x191: {  	s30 =	simm.s32 $0xAA80;
	v4 =	vperm.xlane v4, v2  }
0x192: {  	[hbm4b:s9+s3] =	stream.indirect_vreg.scatter [tilespmem:s30], [sflag:$0x5], $0x80, v5, vm0, $0xb8;
	[tilespmem:$0x18280] =	vst v63  }
0x193: {  	s31 =	simm.s32 $0xB280;
	v4 =	vadd.s32 v1, v4  }
0x194: {  	[hbm4b:s10+s3] =	stream.indirect_vreg.scatter [tilespmem:s31], [sflag:$0x5], $0x80, v5, vm0, $0xb8;
	[tilespmem:$0x18280] =	vst v63  }
0x195: {  	s15 =	simm.s32 $0xBA80  }
0x196: {  	[hbm4b:s11+s3] =	stream.indirect_vreg.scatter [tilespmem:s15], [sflag:$0x5], $0x80, v5, vm0, $0xb8;
	[tilespmem:$0x18280] =	vst v63  }
0x197: {  	s22 =	simm.s32 $0xC280  }
0x198: {  	[hbm4b:s2+s3] =	stream.indirect_vreg.scatter [tilespmem:s22], [sflag:$0x5], $0x80, v4, vm0, $0xb8;
	[tilespmem:$0x18280] =	vst v63  }
0x199: {  	s23 =	simm.s32 $0xCA80  }
0x19a: {  	[hbm4b:s5+s3] =	stream.indirect_vreg.scatter [tilespmem:s23], [sflag:$0x5], $0x80, v4, vm0, $0xb8;
	[tilespmem:$0x18280] =	vst v63  }
0x19b: {  	s25 =	simm.s32 $0xD280  }
0x19c: {  	[hbm4b:s6+s3] =	stream.indirect_vreg.scatter [tilespmem:s25], [sflag:$0x5], $0x80, v4, vm0, $0xb8;
	[tilespmem:$0x18280] =	vst v63  }
0x19d: {  	s26 =	simm.s32 $0xDA80  }
0x19e: {  	[hbm4b:s7+s3] =	stream.indirect_vreg.scatter [tilespmem:s26], [sflag:$0x5], $0x80, v4, vm0, $0xb8;
	[tilespmem:$0x18280] =	vst v63  }
0x19f: {  	s28 =	simm.s32 $0xE280  }
0x1a0: {  	[hbm4b:s8+s3] =	stream.indirect_vreg.scatter [tilespmem:s28], [sflag:$0x5], $0x80, v4, vm0, $0xb8;
	[tilespmem:$0x18280] =	vst v63  }
0x1a1: {  	s29 =	simm.s32 $0xEA80  }
0x1a2: {  	[hbm4b:s9+s3] =	stream.indirect_vreg.scatter [tilespmem:s29], [sflag:$0x5], $0x80, v4, vm0, $0xb8;
	[tilespmem:$0x18280] =	vst v63  }
0x1a3: {  	s30 =	simm.s32 $0xF280  }
0x1a4: {  	[hbm4b:s10+s3] =	stream.indirect_vreg.scatter [tilespmem:s30], [sflag:$0x5], $0x80, v4, vm0, $0xb8;
	[tilespmem:$0x18280] =	vst v63  }
0x1a5: {  	s31 =	simm.s32 $0xFA80  }
0x1a6: {  	[hbm4b:s11+s3] =	stream.indirect_vreg.scatter [tilespmem:s31], [sflag:$0x5], $0x80, v4, vm0, $0xb8;
	[tilespmem:$0x18280] =	vst v63  }
0x1a7: {  	_ =	swait.ge [sflag:s19], $0x8000  }
0x1a8: {  	[sflag:s19] =	ssyncset.done $0x0  }
0x1a9: {  	s15 =	rddreg [dreg:$0x12];
	[sflag:s19] =	ssyncadd.s32 $0xFFFF8000  }
0x1aa: {  	[tilespmem:s0], [sflag:$0x2] =	stream.linear.gather [hbm4b:s15+s3], $0x8000, $0x38;
	[tilespmem:$0x18280] =	vst v63  }
0x1ab: {  	v51 =	vld [tilespmem:$0x80];
	_ =	sdelay $0x1  }
0x1ac: {  	v52 =	vld [tilespmem:$0x180];
	_ =	sdelay $0x2  }
0x1ad: {  	v4 =	vperm.xlane v3, v51;
	_ =	sdelay $0x1  }
0x1ae: {  	v4 =	vadd.s32 v52, v4  }
0x1af: {  	v5 =	vshll.u32 v4, $0x4  }
0x1b0: {  	v4 =	vand.u32 $0x7, v4;
	v5 =	vand.u32 $0xFFFFFF80, v5  }
0x1b1: {  	v4 =	vor.u32 v4, v5  }
0x1b2: {  	v5 =	vperm.xlane v4, v0;
	_ =	sdelay $0x1  }
0x1b3: {  	v5 =	vadd.s32 v1, v5;
	_ =	sdelay $0x1  }
0x1b4: {  	_ =	swait.ge [sflag:s20], $0x8000  }
0x1b5: {  	[sflag:s20] =	ssyncset.done $0x0  }
0x1b6: {  	s0 =	simm.s32 $0x10280;
	[sflag:s20] =	ssyncadd.s32 $0xFFFF8000  }
0x1b7: {  	[hbm4b:s2+s3] =	stream.indirect_vreg.scatter [tilespmem:s0], [sflag:$0x6], $0x80, v5, vm0, $0xb8;
	[tilespmem:$0x18280] =	vst v63  }
0x1b8: {  	s23 =	simm.s32 $0x10A80  }
0x1b9: {  	[hbm4b:s5+s3] =	stream.indirect_vreg.scatter [tilespmem:s23], [sflag:$0x6], $0x80, v5, vm0, $0xb8;
	[tilespmem:$0x18280] =	vst v63  }
0x1ba: {  	s25 =	simm.s32 $0x11280  }
0x1bb: {  	[hbm4b:s6+s3] =	stream.indirect_vreg.scatter [tilespmem:s25], [sflag:$0x6], $0x80, v5, vm0, $0xb8;
	[tilespmem:$0x18280] =	vst v63  }
0x1bc: {  	s26 =	simm.s32 $0x11A80  }
0x1bd: {  	[hbm4b:s7+s3] =	stream.indirect_vreg.scatter [tilespmem:s26], [sflag:$0x6], $0x80, v5, vm0, $0xb8;
	[tilespmem:$0x18280] =	vst v63  }
0x1be: {  	s28 =	simm.s32 $0x12280  }
0x1bf: {  	[hbm4b:s8+s3] =	stream.indirect_vreg.scatter [tilespmem:s28], [sflag:$0x6], $0x80, v5, vm0, $0xb8;
	[tilespmem:$0x18280] =	vst v63  }
0x1c0: {  	s29 =	simm.s32 $0x12A80;
	v4 =	vperm.xlane v4, v2  }
0x1c1: {  	[hbm4b:s9+s3] =	stream.indirect_vreg.scatter [tilespmem:s29], [sflag:$0x6], $0x80, v5, vm0, $0xb8;
	[tilespmem:$0x18280] =	vst v63  }
0x1c2: {  	s30 =	simm.s32 $0x13280;
	v4 =	vadd.s32 v1, v4  }
0x1c3: {  	[hbm4b:s10+s3] =	stream.indirect_vreg.scatter [tilespmem:s30], [sflag:$0x6], $0x80, v5, vm0, $0xb8;
	[tilespmem:$0x18280] =	vst v63  }
0x1c4: {  	s31 =	simm.s32 $0x13A80  }
0x1c5: {  	[hbm4b:s11+s3] =	stream.indirect_vreg.scatter [tilespmem:s31], [sflag:$0x6], $0x80, v5, vm0, $0xb8;
	[tilespmem:$0x18280] =	vst v63  }
0x1c6: {  	s22 =	simm.s32 $0x14280  }
0x1c7: {  	[hbm4b:s2+s3] =	stream.indirect_vreg.scatter [tilespmem:s22], [sflag:$0x6], $0x80, v4, vm0, $0xb8;
	[tilespmem:$0x18280] =	vst v63  }
0x1c8: {  	s23 =	simm.s32 $0x14A80  }
0x1c9: {  	[hbm4b:s5+s3] =	stream.indirect_vreg.scatter [tilespmem:s23], [sflag:$0x6], $0x80, v4, vm0, $0xb8;
	[tilespmem:$0x18280] =	vst v63  }
0x1ca: {  	s25 =	simm.s32 $0x15280  }
0x1cb: {  	[hbm4b:s6+s3] =	stream.indirect_vreg.scatter [tilespmem:s25], [sflag:$0x6], $0x80, v4, vm0, $0xb8;
	[tilespmem:$0x18280] =	vst v63  }
0x1cc: {  	s26 =	simm.s32 $0x15A80  }
0x1cd: {  	[hbm4b:s7+s3] =	stream.indirect_vreg.scatter [tilespmem:s26], [sflag:$0x6], $0x80, v4, vm0, $0xb8;
	[tilespmem:$0x18280] =	vst v63  }
0x1ce: {  	s28 =	simm.s32 $0x16280  }
0x1cf: {  	[hbm4b:s8+s3] =	stream.indirect_vreg.scatter [tilespmem:s28], [sflag:$0x6], $0x80, v4, vm0, $0xb8;
	[tilespmem:$0x18280] =	vst v63  }
0x1d0: {  	s29 =	simm.s32 $0x16A80  }
0x1d1: {  	[hbm4b:s9+s3] =	stream.indirect_vreg.scatter [tilespmem:s29], [sflag:$0x6], $0x80, v4, vm0, $0xb8;
	[tilespmem:$0x18280] =	vst v63  }
0x1d2: {  	s30 =	simm.s32 $0x17280  }
0x1d3: {  	[hbm4b:s10+s3] =	stream.indirect_vreg.scatter [tilespmem:s30], [sflag:$0x6], $0x80, v4, vm0, $0xb8;
	[tilespmem:$0x18280] =	vst v63  }
0x1d4: {  	s31 =	simm.s32 $0x17A80  }
0x1d5: {  	[hbm4b:s11+s3] =	stream.indirect_vreg.scatter [tilespmem:s31], [sflag:$0x6], $0x80, v4, vm0, $0xb8;
	[tilespmem:$0x18280] =	vst v63  }
0x1d6: {  	_ =	swait.ge [sflag:s21], $0x8000  }
0x1d7: {  	[sflag:s21] =	ssyncset.done $0x0  }
0x1d8: {  	s15 =	rddreg [dreg:$0x13];
	[sflag:s21] =	ssyncadd.s32 $0xFFFF8000  }
0x1d9: {  	[tilespmem:s0], [sflag:$0x3] =	stream.linear.gather [hbm4b:s15+s3], $0x8000, $0x38;
	[tilespmem:$0x18280] =	vst v63  }
0x1da: {  	v53 =	vld [tilespmem:$0x90];
	_ =	sdelay $0x1  }
0x1db: {  	v54 =	vld [tilespmem:$0x190];
	_ =	sdelay $0x2  }
0x1dc: {  	v4 =	vperm.xlane v3, v53;
	_ =	sdelay $0x1  }
0x1dd: {  	v4 =	vadd.s32 v54, v4  }
0x1de: {  	v5 =	vshll.u32 v4, $0x4  }
0x1df: {  	v4 =	vand.u32 $0x7, v4;
	v5 =	vand.u32 $0xFFFFFF80, v5  }
0x1e0: {  	v4 =	vor.u32 v4, v5  }
0x1e1: {  	v5 =	vperm.xlane v4, v0;
	_ =	sdelay $0x1  }
0x1e2: {  	v5 =	vadd.s32 v1, v5;
	_ =	sdelay $0x1  }
0x1e3: {  	_ =	swait.ge [sflag:s17], $0x8000  }
0x1e4: {  	[sflag:s17] =	ssyncset.done $0x0  }
0x1e5: {  	s22 =	simm.s32 $0x280;
	[sflag:s17] =	ssyncadd.s32 $0xFFFF8000  }
0x1e6: {  	[hbm4b:s2+s3] =	stream.indirect_vreg.scatter [tilespmem:s22], [sflag:$0x4], $0x80, v5, vm0, $0xb8;
	[tilespmem:$0x18280] =	vst v63  }
0x1e7: {  	s28 =	simm.s32 $0xA80  }
0x1e8: {  	[hbm4b:s5+s3] =	stream.indirect_vreg.scatter [tilespmem:s28], [sflag:$0x4], $0x80, v5, vm0, $0xb8;
	[tilespmem:$0x18280] =	vst v63  }
0x1e9: {  	s31 =	simm.s32 $0x1280  }
0x1ea: {  	[hbm4b:s6+s3] =	stream.indirect_vreg.scatter [tilespmem:s31], [sflag:$0x4], $0x80, v5, vm0, $0xb8;
	[tilespmem:$0x18280] =	vst v63  }
0x1eb: {  	s30 =	simm.s32 $0x1A80  }
0x1ec: {  	[hbm4b:s7+s3] =	stream.indirect_vreg.scatter [tilespmem:s30], [sflag:$0x4], $0x80, v5, vm0, $0xb8;
	[tilespmem:$0x18280] =	vst v63  }
0x1ed: {  	_ = 	snop  }
0x1ee: {  	[hbm4b:s8+s3] =	stream.indirect_vreg.scatter [tilespmem:s1], [sflag:$0x4], $0x80, v5, vm0, $0xb8;
	[tilespmem:$0x18280] =	vst v63  }
0x1ef: {  	v4 =	vperm.xlane v4, v2  }
0x1f0: {  	[hbm4b:s9+s3] =	stream.indirect_vreg.scatter [tilespmem:s14], [sflag:$0x4], $0x80, v5, vm0, $0xb8;
	[tilespmem:$0x18280] =	vst v63  }
0x1f1: {  	s29 =	simm.s32 $0x3280;
	v4 =	vadd.s32 v1, v4  }
0x1f2: {  	[hbm4b:s10+s3] =	stream.indirect_vreg.scatter [tilespmem:s29], [sflag:$0x4], $0x80, v5, vm0, $0xb8;
	[tilespmem:$0x18280] =	vst v63  }
0x1f3: {  	s18 =	simm.s32 $0x3A80  }
0x1f4: {  	[hbm4b:s11+s3] =	stream.indirect_vreg.scatter [tilespmem:s18], [sflag:$0x4], $0x80, v5, vm0, $0xb8;
	[tilespmem:$0x18280] =	vst v63  }
0x1f5: {  	s15 =	simm.s32 $0x4280  }
0x1f6: {  	[hbm4b:s2+s3] =	stream.indirect_vreg.scatter [tilespmem:s15], [sflag:$0x4], $0x80, v4, vm0, $0xb8;
	[tilespmem:$0x18280] =	vst v63  }
0x1f7: {  	s24 =	simm.s32 $0x4A80  }
0x1f8: {  	[hbm4b:s5+s3] =	stream.indirect_vreg.scatter [tilespmem:s24], [sflag:$0x4], $0x80, v4, vm0, $0xb8;
	[tilespmem:$0x18280] =	vst v63  }
0x1f9: {  	s14 =	simm.s32 $0x5280  }
0x1fa: {  	[hbm4b:s6+s3] =	stream.indirect_vreg.scatter [tilespmem:s14], [sflag:$0x4], $0x80, v4, vm0, $0xb8;
	[tilespmem:$0x18280] =	vst v63  }
0x1fb: {  	s23 =	simm.s32 $0x5A80  }
0x1fc: {  	[hbm4b:s7+s3] =	stream.indirect_vreg.scatter [tilespmem:s23], [sflag:$0x4], $0x80, v4, vm0, $0xb8;
	[tilespmem:$0x18280] =	vst v63  }
0x1fd: {  	s24 =	simm.s32 $0x6280  }
0x1fe: {  	[hbm4b:s8+s3] =	stream.indirect_vreg.scatter [tilespmem:s24], [sflag:$0x4], $0x80, v4, vm0, $0xb8;
	[tilespmem:$0x18280] =	vst v63  }
0x1ff: {  	s25 =	simm.s32 $0x6A80  }
0x200: {  	[hbm4b:s9+s3] =	stream.indirect_vreg.scatter [tilespmem:s25], [sflag:$0x4], $0x80, v4, vm0, $0xb8;
	[tilespmem:$0x18280] =	vst v63  }
0x201: {  	s26 =	simm.s32 $0x7280  }
0x202: {  	[hbm4b:s10+s3] =	stream.indirect_vreg.scatter [tilespmem:s26], [sflag:$0x4], $0x80, v4, vm0, $0xb8;
	[tilespmem:$0x18280] =	vst v63  }
0x203: {  	_ = 	snop  }
0x204: {  	[hbm4b:s11+s3] =	stream.indirect_vreg.scatter [tilespmem:s13], [sflag:$0x4], $0x80, v4, vm0, $0xb8;
	[tilespmem:$0x18280] =	vst v63  }
0x205: {  	_ =	swait.ge [sflag:s4], $0x8000  }
0x206: {  	[sflag:s4] =	ssyncset.done $0x0  }
0x207: {  	s1 =	rddreg [dreg:$0x14];
	[sflag:s4] =	ssyncadd.s32 $0xFFFF8000  }
0x208: {  	[tilespmem:s22], [sflag:$0x1] =	stream.linear.gather [hbm4b:s1+s3], $0x8000, $0x38;
	[tilespmem:$0x18280] =	vst v63  }
0x209: {  	v55 =	vld [tilespmem:$0xA0];
	_ =	sdelay $0x1  }
0x20a: {  	v56 =	vld [tilespmem:$0x1A0];
	_ =	sdelay $0x2  }
0x20b: {  	v4 =	vperm.xlane v3, v55;
	_ =	sdelay $0x1  }
0x20c: {  	v4 =	vadd.s32 v56, v4  }
0x20d: {  	v5 =	vshll.u32 v4, $0x4  }
0x20e: {  	v4 =	vand.u32 $0x7, v4;
	v5 =	vand.u32 $0xFFFFFF80, v5  }
0x20f: {  	v4 =	vor.u32 v4, v5  }
0x210: {  	v5 =	vperm.xlane v4, v0;
	_ =	sdelay $0x1  }
0x211: {  	v5 =	vadd.s32 v1, v5;
	_ =	sdelay $0x1  }
0x212: {  	_ =	swait.ge [sflag:s16], $0x8000  }
0x213: {  	[sflag:s16] =	ssyncset.done $0x0  }
0x214: {  	s1 =	simm.s32 $0x8280;
	[sflag:s16] =	ssyncadd.s32 $0xFFFF8000  }
0x215: {  	[hbm4b:s2+s3] =	stream.indirect_vreg.scatter [tilespmem:s1], [sflag:$0x5], $0x80, v5, vm0, $0xb8;
	[tilespmem:$0x18280] =	vst v63  }
0x216: {  	s13 =	simm.s32 $0x8A80  }
0x217: {  	[hbm4b:s5+s3] =	stream.indirect_vreg.scatter [tilespmem:s13], [sflag:$0x5], $0x80, v5, vm0, $0xb8;
	[tilespmem:$0x18280] =	vst v63  }
0x218: {  	s18 =	simm.s32 $0x9280  }
0x219: {  	[hbm4b:s6+s3] =	stream.indirect_vreg.scatter [tilespmem:s18], [sflag:$0x5], $0x80, v5, vm0, $0xb8;
	[tilespmem:$0x18280] =	vst v63  }
0x21a: {  	s22 =	simm.s32 $0x9A80  }
0x21b: {  	[hbm4b:s7+s3] =	stream.indirect_vreg.scatter [tilespmem:s22], [sflag:$0x5], $0x80, v5, vm0, $0xb8;
	[tilespmem:$0x18280] =	vst v63  }
0x21c: {  	s0 =	simm.s32 $0xA280  }
0x21d: {  	[hbm4b:s8+s3] =	stream.indirect_vreg.scatter [tilespmem:s0], [sflag:$0x5], $0x80, v5, vm0, $0xb8;
	[tilespmem:$0x18280] =	vst v63  }
0x21e: {  	v4 =	vperm.xlane v4, v2;
	s18 =	simm.s32 $0xAA80  }
0x21f: {  	[hbm4b:s9+s3] =	stream.indirect_vreg.scatter [tilespmem:s18], [sflag:$0x5], $0x80, v5, vm0, $0xb8;
	[tilespmem:$0x18280] =	vst v63  }
0x220: {  	v4 =	vadd.s32 v1, v4;
	s22 =	simm.s32 $0xB280  }
0x221: {  	[hbm4b:s10+s3] =	stream.indirect_vreg.scatter [tilespmem:s22], [sflag:$0x5], $0x80, v5, vm0, $0xb8;
	[tilespmem:$0x18280] =	vst v63  }
0x222: {  	s0 =	simm.s32 $0xBA80  }
0x223: {  	[hbm4b:s11+s3] =	stream.indirect_vreg.scatter [tilespmem:s0], [sflag:$0x5], $0x80, v5, vm0, $0xb8;
	[tilespmem:$0x18280] =	vst v63  }
0x224: {  	s18 =	simm.s32 $0xC280  }
0x225: {  	[hbm4b:s2+s3] =	stream.indirect_vreg.scatter [tilespmem:s18], [sflag:$0x5], $0x80, v4, vm0, $0xb8;
	[tilespmem:$0x18280] =	vst v63  }
0x226: {  	s22 =	simm.s32 $0xCA80  }
0x227: {  	[hbm4b:s5+s3] =	stream.indirect_vreg.scatter [tilespmem:s22], [sflag:$0x5], $0x80, v4, vm0, $0xb8;
	[tilespmem:$0x18280] =	vst v63  }
0x228: {  	s0 =	simm.s32 $0xD280  }
0x229: {  	[hbm4b:s6+s3] =	stream.indirect_vreg.scatter [tilespmem:s0], [sflag:$0x5], $0x80, v4, vm0, $0xb8;
	[tilespmem:$0x18280] =	vst v63  }
0x22a: {  	s18 =	simm.s32 $0xDA80  }
0x22b: {  	[hbm4b:s7+s3] =	stream.indirect_vreg.scatter [tilespmem:s18], [sflag:$0x5], $0x80, v4, vm0, $0xb8;
	[tilespmem:$0x18280] =	vst v63  }
0x22c: {  	s22 =	simm.s32 $0xE280  }
0x22d: {  	[hbm4b:s8+s3] =	stream.indirect_vreg.scatter [tilespmem:s22], [sflag:$0x5], $0x80, v4, vm0, $0xb8;
	[tilespmem:$0x18280] =	vst v63  }
0x22e: {  	s0 =	simm.s32 $0xEA80  }
0x22f: {  	[hbm4b:s9+s3] =	stream.indirect_vreg.scatter [tilespmem:s0], [sflag:$0x5], $0x80, v4, vm0, $0xb8;
	[tilespmem:$0x18280] =	vst v63  }
0x230: {  	s18 =	simm.s32 $0xF280  }
0x231: {  	[hbm4b:s10+s3] =	stream.indirect_vreg.scatter [tilespmem:s18], [sflag:$0x5], $0x80, v4, vm0, $0xb8;
	[tilespmem:$0x18280] =	vst v63  }
0x232: {  	s22 =	simm.s32 $0xFA80  }
0x233: {  	[hbm4b:s11+s3] =	stream.indirect_vreg.scatter [tilespmem:s22], [sflag:$0x5], $0x80, v4, vm0, $0xb8;
	[tilespmem:$0x18280] =	vst v63  }
0x234: {  	_ =	swait.ge [sflag:s19], $0x8000  }
0x235: {  	[sflag:s19] =	ssyncset.done $0x0  }
0x236: {  	s0 =	rddreg [dreg:$0x15];
	[sflag:s19] =	ssyncadd.s32 $0xFFFF8000  }
0x237: {  	[tilespmem:s1], [sflag:$0x2] =	stream.linear.gather [hbm4b:s0+s3], $0x8000, $0x38;
	[tilespmem:$0x18280] =	vst v63  }
0x238: {  	v57 =	vld [tilespmem:$0xB0];
	_ =	sdelay $0x1  }
0x239: {  	v58 =	vld [tilespmem:$0x1B0];
	_ =	sdelay $0x2  }
0x23a: {  	v4 =	vperm.xlane v3, v57;
	_ =	sdelay $0x1  }
0x23b: {  	v4 =	vadd.s32 v58, v4  }
0x23c: {  	v5 =	vshll.u32 v4, $0x4  }
0x23d: {  	v4 =	vand.u32 $0x7, v4;
	v5 =	vand.u32 $0xFFFFFF80, v5  }
0x23e: {  	v4 =	vor.u32 v4, v5  }
0x23f: {  	v5 =	vperm.xlane v4, v0;
	_ =	sdelay $0x1  }
0x240: {  	v5 =	vadd.s32 v1, v5;
	_ =	sdelay $0x1  }
0x241: {  	_ =	swait.ge [sflag:s20], $0x8000  }
0x242: {  	[sflag:s20] =	ssyncset.done $0x0  }
0x243: {  	s18 =	simm.s32 $0x10280;
	[sflag:s20] =	ssyncadd.s32 $0xFFFF8000  }
0x244: {  	[hbm4b:s2+s3] =	stream.indirect_vreg.scatter [tilespmem:s18], [sflag:$0x6], $0x80, v5, vm0, $0xb8;
	[tilespmem:$0x18280] =	vst v63  }
0x245: {  	s1 =	simm.s32 $0x10A80  }
0x246: {  	[hbm4b:s5+s3] =	stream.indirect_vreg.scatter [tilespmem:s1], [sflag:$0x6], $0x80, v5, vm0, $0xb8;
	[tilespmem:$0x18280] =	vst v63  }
0x247: {  	s0 =	simm.s32 $0x11280  }
0x248: {  	[hbm4b:s6+s3] =	stream.indirect_vreg.scatter [tilespmem:s0], [sflag:$0x6], $0x80, v5, vm0, $0xb8;
	[tilespmem:$0x18280] =	vst v63  }
0x249: {  	s1 =	simm.s32 $0x11A80  }
0x24a: {  	[hbm4b:s7+s3] =	stream.indirect_vreg.scatter [tilespmem:s1], [sflag:$0x6], $0x80, v5, vm0, $0xb8;
	[tilespmem:$0x18280] =	vst v63  }
0x24b: {  	s12 =	simm.s32 $0x12280  }
0x24c: {  	[hbm4b:s8+s3] =	stream.indirect_vreg.scatter [tilespmem:s12], [sflag:$0x6], $0x80, v5, vm0, $0xb8;
	[tilespmem:$0x18280] =	vst v63  }
0x24d: {  	s22 =	simm.s32 $0x12A80;
	v4 =	vperm.xlane v4, v2  }
0x24e: {  	[hbm4b:s9+s3] =	stream.indirect_vreg.scatter [tilespmem:s22], [sflag:$0x6], $0x80, v5, vm0, $0xb8;
	[tilespmem:$0x18280] =	vst v63  }
0x24f: {  	v4 =	vadd.s32 v1, v4;
	s12 =	simm.s32 $0x13280  }
0x250: {  	[hbm4b:s10+s3] =	stream.indirect_vreg.scatter [tilespmem:s12], [sflag:$0x6], $0x80, v5, vm0, $0xb8;
	[tilespmem:$0x18280] =	vst v63  }
0x251: {  	s13 =	simm.s32 $0x13A80  }
0x252: {  	[hbm4b:s11+s3] =	stream.indirect_vreg.scatter [tilespmem:s13], [sflag:$0x6], $0x80, v5, vm0, $0xb8;
	[tilespmem:$0x18280] =	vst v63  }
0x253: {  	s22 =	simm.s32 $0x14280  }
0x254: {  	[hbm4b:s2+s3] =	stream.indirect_vreg.scatter [tilespmem:s22], [sflag:$0x6], $0x80, v4, vm0, $0xb8;
	[tilespmem:$0x18280] =	vst v63  }
0x255: {  	s22 =	simm.s32 $0x14A80  }
0x256: {  	[hbm4b:s5+s3] =	stream.indirect_vreg.scatter [tilespmem:s22], [sflag:$0x6], $0x80, v4, vm0, $0xb8;
	[tilespmem:$0x18280] =	vst v63  }
0x257: {  	s22 =	simm.s32 $0x15280  }
0x258: {  	[hbm4b:s6+s3] =	stream.indirect_vreg.scatter [tilespmem:s22], [sflag:$0x6], $0x80, v4, vm0, $0xb8;
	[tilespmem:$0x18280] =	vst v63  }
0x259: {  	s22 =	simm.s32 $0x15A80  }
0x25a: {  	[hbm4b:s7+s3] =	stream.indirect_vreg.scatter [tilespmem:s22], [sflag:$0x6], $0x80, v4, vm0, $0xb8;
	[tilespmem:$0x18280] =	vst v63  }
0x25b: {  	s22 =	simm.s32 $0x16280  }
0x25c: {  	[hbm4b:s8+s3] =	stream.indirect_vreg.scatter [tilespmem:s22], [sflag:$0x6], $0x80, v4, vm0, $0xb8;
	[tilespmem:$0x18280] =	vst v63  }
0x25d: {  	s22 =	simm.s32 $0x16A80  }
0x25e: {  	[hbm4b:s9+s3] =	stream.indirect_vreg.scatter [tilespmem:s22], [sflag:$0x6], $0x80, v4, vm0, $0xb8;
	[tilespmem:$0x18280] =	vst v63  }
0x25f: {  	s22 =	simm.s32 $0x17280  }
0x260: {  	[hbm4b:s10+s3] =	stream.indirect_vreg.scatter [tilespmem:s22], [sflag:$0x6], $0x80, v4, vm0, $0xb8;
	[tilespmem:$0x18280] =	vst v63  }
0x261: {  	s22 =	simm.s32 $0x17A80  }
0x262: {  	[hbm4b:s11+s3] =	stream.indirect_vreg.scatter [tilespmem:s22], [sflag:$0x6], $0x80, v4, vm0, $0xb8;
	[tilespmem:$0x18280] =	vst v63  }
0x263: {  	_ =	swait.ge [sflag:s21], $0x8000  }
0x264: {  	[sflag:s21] =	ssyncset.done $0x0  }
0x265: {  	s22 =	rddreg [dreg:$0x16];
	[sflag:s21] =	ssyncadd.s32 $0xFFFF8000  }
0x266: {  	[tilespmem:s18], [sflag:$0x3] =	stream.linear.gather [hbm4b:s22+s3], $0x8000, $0x38;
	[tilespmem:$0x18280] =	vst v63  }
0x267: {  	v59 =	vld [tilespmem:$0xC0];
	_ =	sdelay $0x1  }
0x268: {  	v60 =	vld [tilespmem:$0x1C0];
	_ =	sdelay $0x2  }
0x269: {  	v4 =	vperm.xlane v3, v59;
	_ =	sdelay $0x1  }
0x26a: {  	v4 =	vadd.s32 v60, v4  }
0x26b: {  	v5 =	vshll.u32 v4, $0x4  }
0x26c: {  	v4 =	vand.u32 $0x7, v4;
	v5 =	vand.u32 $0xFFFFFF80, v5  }
0x26d: {  	v4 =	vor.u32 v4, v5  }
0x26e: {  	v5 =	vperm.xlane v4, v0;
	_ =	sdelay $0x1  }
0x26f: {  	v5 =	vadd.s32 v1, v5;
	_ =	sdelay $0x1  }
0x270: {  	_ =	swait.ge [sflag:s17], $0x8000  }
0x271: {  	[sflag:s17] =	ssyncset.done $0x0  }
0x272: {  	s18 =	simm.s32 $0x280;
	[sflag:s17] =	ssyncadd.s32 $0xFFFF8000  }
0x273: {  	[hbm4b:s2+s3] =	stream.indirect_vreg.scatter [tilespmem:s18], [sflag:$0x4], $0x80, v5, vm0, $0xb8;
	[tilespmem:$0x18280] =	vst v63  }
0x274: {  	_ = 	snop  }
0x275: {  	[hbm4b:s5+s3] =	stream.indirect_vreg.scatter [tilespmem:s28], [sflag:$0x4], $0x80, v5, vm0, $0xb8;
	[tilespmem:$0x18280] =	vst v63  }
0x276: {  	_ = 	snop  }
0x277: {  	[hbm4b:s6+s3] =	stream.indirect_vreg.scatter [tilespmem:s31], [sflag:$0x4], $0x80, v5, vm0, $0xb8;
	[tilespmem:$0x18280] =	vst v63  }
0x278: {  	_ = 	snop  }
0x279: {  	[hbm4b:s7+s3] =	stream.indirect_vreg.scatter [tilespmem:s30], [sflag:$0x4], $0x80, v5, vm0, $0xb8;
	[tilespmem:$0x18280] =	vst v63  }
0x27a: {  	s30 =	simm.s32 $0x2280  }
0x27b: {  	[hbm4b:s8+s3] =	stream.indirect_vreg.scatter [tilespmem:s30], [sflag:$0x4], $0x80, v5, vm0, $0xb8;
	[tilespmem:$0x18280] =	vst v63  }
0x27c: {  	s22 =	simm.s32 $0x2A80;
	v4 =	vperm.xlane v4, v2  }
0x27d: {  	[hbm4b:s9+s3] =	stream.indirect_vreg.scatter [tilespmem:s22], [sflag:$0x4], $0x80, v5, vm0, $0xb8;
	[tilespmem:$0x18280] =	vst v63  }
0x27e: {  	v4 =	vadd.s32 v1, v4  }
0x27f: {  	[hbm4b:s10+s3] =	stream.indirect_vreg.scatter [tilespmem:s29], [sflag:$0x4], $0x80, v5, vm0, $0xb8;
	[tilespmem:$0x18280] =	vst v63  }
0x280: {  	s22 =	simm.s32 $0x3A80  }
0x281: {  	[hbm4b:s11+s3] =	stream.indirect_vreg.scatter [tilespmem:s22], [sflag:$0x4], $0x80, v5, vm0, $0xb8;
	[tilespmem:$0x18280] =	vst v63  }
0x282: {  	_ = 	snop  }
0x283: {  	[hbm4b:s2+s3] =	stream.indirect_vreg.scatter [tilespmem:s15], [sflag:$0x4], $0x80, v4, vm0, $0xb8;
	[tilespmem:$0x18280] =	vst v63  }
0x284: {  	s22 =	simm.s32 $0x4A80  }
0x285: {  	[hbm4b:s5+s3] =	stream.indirect_vreg.scatter [tilespmem:s22], [sflag:$0x4], $0x80, v4, vm0, $0xb8;
	[tilespmem:$0x18280] =	vst v63  }
0x286: {  	_ = 	snop  }
0x287: {  	[hbm4b:s6+s3] =	stream.indirect_vreg.scatter [tilespmem:s14], [sflag:$0x4], $0x80, v4, vm0, $0xb8;
	[tilespmem:$0x18280] =	vst v63  }
0x288: {  	_ = 	snop  }
0x289: {  	[hbm4b:s7+s3] =	stream.indirect_vreg.scatter [tilespmem:s23], [sflag:$0x4], $0x80, v4, vm0, $0xb8;
	[tilespmem:$0x18280] =	vst v63  }
0x28a: {  	_ = 	snop  }
0x28b: {  	[hbm4b:s8+s3] =	stream.indirect_vreg.scatter [tilespmem:s24], [sflag:$0x4], $0x80, v4, vm0, $0xb8;
	[tilespmem:$0x18280] =	vst v63  }
0x28c: {  	_ = 	snop  }
0x28d: {  	[hbm4b:s9+s3] =	stream.indirect_vreg.scatter [tilespmem:s25], [sflag:$0x4], $0x80, v4, vm0, $0xb8;
	[tilespmem:$0x18280] =	vst v63  }
0x28e: {  	_ = 	snop  }
0x28f: {  	[hbm4b:s10+s3] =	stream.indirect_vreg.scatter [tilespmem:s26], [sflag:$0x4], $0x80, v4, vm0, $0xb8;
	[tilespmem:$0x18280] =	vst v63  }
0x290: {  	s22 =	simm.s32 $0x7A80  }
0x291: {  	[hbm4b:s11+s3] =	stream.indirect_vreg.scatter [tilespmem:s22], [sflag:$0x4], $0x80, v4, vm0, $0xb8;
	[tilespmem:$0x18280] =	vst v63  }
0x292: {  	_ =	swait.ge [sflag:s4], $0x8000  }
0x293: {  	[sflag:s4] =	ssyncset.done $0x0  }
0x294: {  	s22 =	rddreg [dreg:$0x17];
	[sflag:s4] =	ssyncadd.s32 $0xFFFF8000  }
0x295: {  	[tilespmem:s18], [sflag:$0x1] =	stream.linear.gather [hbm4b:s22+s3], $0x8000, $0x38;
	[tilespmem:$0x18280] =	vst v63  }
0x296: {  	v61 =	vld [tilespmem:$0xD0];
	_ =	sdelay $0x1  }
0x297: {  	v62 =	vld [tilespmem:$0x1D0];
	_ =	sdelay $0x2  }
0x298: {  	v4 =	vperm.xlane v3, v61;
	_ =	sdelay $0x1  }
0x299: {  	v4 =	vadd.s32 v62, v4  }
0x29a: {  	v5 =	vshll.u32 v4, $0x4  }
0x29b: {  	v4 =	vand.u32 $0x7, v4;
	v5 =	vand.u32 $0xFFFFFF80, v5  }
0x29c: {  	v4 =	vor.u32 v4, v5  }
0x29d: {  	v5 =	vperm.xlane v4, v0;
	_ =	sdelay $0x1  }
0x29e: {  	v5 =	vadd.s32 v1, v5;
	_ =	sdelay $0x1  }
0x29f: {  	_ =	swait.ge [sflag:s16], $0x8000  }
0x2a0: {  	[sflag:s16] =	ssyncset.done $0x0  }
0x2a1: {  	s18 =	simm.s32 $0x8280;
	[sflag:s16] =	ssyncadd.s32 $0xFFFF8000  }
0x2a2: {  	[hbm4b:s2+s3] =	stream.indirect_vreg.scatter [tilespmem:s18], [sflag:$0x5], $0x80, v5, vm0, $0xb8;
	[tilespmem:$0x18280] =	vst v63  }
0x2a3: {  	s18 =	simm.s32 $0x8A80  }
0x2a4: {  	[hbm4b:s5+s3] =	stream.indirect_vreg.scatter [tilespmem:s18], [sflag:$0x5], $0x80, v5, vm0, $0xb8;
	[tilespmem:$0x18280] =	vst v63  }
0x2a5: {  	s18 =	simm.s32 $0x9280  }
0x2a6: {  	[hbm4b:s6+s3] =	stream.indirect_vreg.scatter [tilespmem:s18], [sflag:$0x5], $0x80, v5, vm0, $0xb8;
	[tilespmem:$0x18280] =	vst v63  }
0x2a7: {  	s18 =	simm.s32 $0x9A80  }
0x2a8: {  	[hbm4b:s7+s3] =	stream.indirect_vreg.scatter [tilespmem:s18], [sflag:$0x5], $0x80, v5, vm0, $0xb8;
	[tilespmem:$0x18280] =	vst v63  }
0x2a9: {  	s18 =	simm.s32 $0xA280  }
0x2aa: {  	[hbm4b:s8+s3] =	stream.indirect_vreg.scatter [tilespmem:s18], [sflag:$0x5], $0x80, v5, vm0, $0xb8;
	[tilespmem:$0x18280] =	vst v63  }
0x2ab: {  	v4 =	vperm.xlane v4, v2;
	s18 =	simm.s32 $0xAA80  }
0x2ac: {  	[hbm4b:s9+s3] =	stream.indirect_vreg.scatter [tilespmem:s18], [sflag:$0x5], $0x80, v5, vm0, $0xb8;
	[tilespmem:$0x18280] =	vst v63  }
0x2ad: {  	v4 =	vadd.s32 v1, v4;
	s18 =	simm.s32 $0xB280  }
0x2ae: {  	[hbm4b:s10+s3] =	stream.indirect_vreg.scatter [tilespmem:s18], [sflag:$0x5], $0x80, v5, vm0, $0xb8;
	[tilespmem:$0x18280] =	vst v63  }
0x2af: {  	s18 =	simm.s32 $0xBA80  }
0x2b0: {  	[hbm4b:s11+s3] =	stream.indirect_vreg.scatter [tilespmem:s18], [sflag:$0x5], $0x80, v5, vm0, $0xb8;
	[tilespmem:$0x18280] =	vst v63  }
0x2b1: {  	s18 =	simm.s32 $0xC280  }
0x2b2: {  	[hbm4b:s2+s3] =	stream.indirect_vreg.scatter [tilespmem:s18], [sflag:$0x5], $0x80, v4, vm0, $0xb8;
	[tilespmem:$0x18280] =	vst v63  }
0x2b3: {  	s18 =	simm.s32 $0xCA80  }
0x2b4: {  	[hbm4b:s5+s3] =	stream.indirect_vreg.scatter [tilespmem:s18], [sflag:$0x5], $0x80, v4, vm0, $0xb8;
	[tilespmem:$0x18280] =	vst v63  }
0x2b5: {  	s18 =	simm.s32 $0xD280  }
0x2b6: {  	[hbm4b:s6+s3] =	stream.indirect_vreg.scatter [tilespmem:s18], [sflag:$0x5], $0x80, v4, vm0, $0xb8;
	[tilespmem:$0x18280] =	vst v63  }
0x2b7: {  	s18 =	simm.s32 $0xDA80  }
0x2b8: {  	[hbm4b:s7+s3] =	stream.indirect_vreg.scatter [tilespmem:s18], [sflag:$0x5], $0x80, v4, vm0, $0xb8;
	[tilespmem:$0x18280] =	vst v63  }
0x2b9: {  	s18 =	simm.s32 $0xE280  }
0x2ba: {  	[hbm4b:s8+s3] =	stream.indirect_vreg.scatter [tilespmem:s18], [sflag:$0x5], $0x80, v4, vm0, $0xb8;
	[tilespmem:$0x18280] =	vst v63  }
0x2bb: {  	s18 =	simm.s32 $0xEA80  }
0x2bc: {  	[hbm4b:s9+s3] =	stream.indirect_vreg.scatter [tilespmem:s18], [sflag:$0x5], $0x80, v4, vm0, $0xb8;
	[tilespmem:$0x18280] =	vst v63  }
0x2bd: {  	s18 =	simm.s32 $0xF280  }
0x2be: {  	[hbm4b:s10+s3] =	stream.indirect_vreg.scatter [tilespmem:s18], [sflag:$0x5], $0x80, v4, vm0, $0xb8;
	[tilespmem:$0x18280] =	vst v63  }
0x2bf: {  	s18 =	simm.s32 $0xFA80  }
0x2c0: {  	[hbm4b:s11+s3] =	stream.indirect_vreg.scatter [tilespmem:s18], [sflag:$0x5], $0x80, v4, vm0, $0xb8;
	[tilespmem:$0x18280] =	vst v63  }
0x2c1: {  	v4 =	vld [tilespmem:$0xE0];
	_ =	sdelay $0x1  }
0x2c2: {  	v5 =	vld [tilespmem:$0x1E0];
	_ =	sdelay $0x2  }
0x2c3: {  	v4 =	vperm.xlane v3, v4;
	_ =	sdelay $0x1  }
0x2c4: {  	v4 =	vadd.s32 v5, v4  }
0x2c5: {  	v5 =	vshll.u32 v4, $0x4  }
0x2c6: {  	v4 =	vand.u32 $0x7, v4;
	v5 =	vand.u32 $0xFFFFFF80, v5  }
0x2c7: {  	v4 =	vor.u32 v4, v5  }
0x2c8: {  	v5 =	vperm.xlane v4, v0;
	_ =	sdelay $0x1  }
0x2c9: {  	v5 =	vadd.s32 v1, v5;
	_ =	sdelay $0x1  }
0x2ca: {  	_ =	swait.ge [sflag:s20], $0x8000  }
0x2cb: {  	[sflag:s20] =	ssyncset.done $0x0  }
0x2cc: {  	s18 =	simm.s32 $0x10280;
	[sflag:s20] =	ssyncadd.s32 $0xFFFF8000  }
0x2cd: {  	[hbm4b:s2+s3] =	stream.indirect_vreg.scatter [tilespmem:s18], [sflag:$0x6], $0x80, v5, vm0, $0xb8;
	[tilespmem:$0x18280] =	vst v63  }
0x2ce: {  	s18 =	simm.s32 $0x10A80  }
0x2cf: {  	[hbm4b:s5+s3] =	stream.indirect_vreg.scatter [tilespmem:s18], [sflag:$0x6], $0x80, v5, vm0, $0xb8;
	[tilespmem:$0x18280] =	vst v63  }
0x2d0: {  	_ = 	snop  }
0x2d1: {  	[hbm4b:s6+s3] =	stream.indirect_vreg.scatter [tilespmem:s0], [sflag:$0x6], $0x80, v5, vm0, $0xb8;
	[tilespmem:$0x18280] =	vst v63  }
0x2d2: {  	_ = 	snop  }
0x2d3: {  	[hbm4b:s7+s3] =	stream.indirect_vreg.scatter [tilespmem:s1], [sflag:$0x6], $0x80, v5, vm0, $0xb8;
	[tilespmem:$0x18280] =	vst v63  }
0x2d4: {  	s18 =	simm.s32 $0x12280  }
0x2d5: {  	[hbm4b:s8+s3] =	stream.indirect_vreg.scatter [tilespmem:s18], [sflag:$0x6], $0x80, v5, vm0, $0xb8;
	[tilespmem:$0x18280] =	vst v63  }
0x2d6: {  	v4 =	vperm.xlane v4, v2;
	s1 =	simm.s32 $0x12A80  }
0x2d7: {  	[hbm4b:s9+s3] =	stream.indirect_vreg.scatter [tilespmem:s1], [sflag:$0x6], $0x80, v5, vm0, $0xb8;
	[tilespmem:$0x18280] =	vst v63  }
0x2d8: {  	v4 =	vadd.s32 v1, v4  }
0x2d9: {  	[hbm4b:s10+s3] =	stream.indirect_vreg.scatter [tilespmem:s12], [sflag:$0x6], $0x80, v5, vm0, $0xb8;
	[tilespmem:$0x18280] =	vst v63  }
0x2da: {  	_ = 	snop  }
0x2db: {  	[hbm4b:s11+s3] =	stream.indirect_vreg.scatter [tilespmem:s13], [sflag:$0x6], $0x80, v5, vm0, $0xb8;
	[tilespmem:$0x18280] =	vst v63  }
0x2dc: {  	s18 =	simm.s32 $0x14280  }
0x2dd: {  	[hbm4b:s2+s3] =	stream.indirect_vreg.scatter [tilespmem:s18], [sflag:$0x6], $0x80, v4, vm0, $0xb8;
	[tilespmem:$0x18280] =	vst v63  }
0x2de: {  	s1 =	simm.s32 $0x14A80  }
0x2df: {  	[hbm4b:s5+s3] =	stream.indirect_vreg.scatter [tilespmem:s1], [sflag:$0x6], $0x80, v4, vm0, $0xb8;
	[tilespmem:$0x18280] =	vst v63  }
0x2e0: {  	s12 =	simm.s32 $0x15280  }
0x2e1: {  	[hbm4b:s6+s3] =	stream.indirect_vreg.scatter [tilespmem:s12], [sflag:$0x6], $0x80, v4, vm0, $0xb8;
	[tilespmem:$0x18280] =	vst v63  }
0x2e2: {  	s13 =	simm.s32 $0x15A80  }
0x2e3: {  	[hbm4b:s7+s3] =	stream.indirect_vreg.scatter [tilespmem:s13], [sflag:$0x6], $0x80, v4, vm0, $0xb8;
	[tilespmem:$0x18280] =	vst v63  }
0x2e4: {  	s18 =	simm.s32 $0x16280  }
0x2e5: {  	[hbm4b:s8+s3] =	stream.indirect_vreg.scatter [tilespmem:s18], [sflag:$0x6], $0x80, v4, vm0, $0xb8;
	[tilespmem:$0x18280] =	vst v63  }
0x2e6: {  	s1 =	simm.s32 $0x16A80  }
0x2e7: {  	[hbm4b:s9+s3] =	stream.indirect_vreg.scatter [tilespmem:s1], [sflag:$0x6], $0x80, v4, vm0, $0xb8;
	[tilespmem:$0x18280] =	vst v63  }
0x2e8: {  	s12 =	simm.s32 $0x17280  }
0x2e9: {  	[hbm4b:s10+s3] =	stream.indirect_vreg.scatter [tilespmem:s12], [sflag:$0x6], $0x80, v4, vm0, $0xb8;
	[tilespmem:$0x18280] =	vst v63  }
0x2ea: {  	s13 =	simm.s32 $0x17A80  }
0x2eb: {  	[hbm4b:s11+s3] =	stream.indirect_vreg.scatter [tilespmem:s13], [sflag:$0x6], $0x80, v4, vm0, $0xb8;
	[tilespmem:$0x18280] =	vst v63  }
0x2ec: {  	v4 =	vld [tilespmem:$0xF0];
	_ =	sdelay $0x1  }
0x2ed: {  	v5 =	vld [tilespmem:$0x1F0];
	_ =	sdelay $0x2  }
0x2ee: {  	v3 =	vperm.xlane v3, v4;
	_ =	sdelay $0x1  }
0x2ef: {  	v3 =	vadd.s32 v5, v3  }
0x2f0: {  	v63 =	vshll.u32 v3, $0x4  }
0x2f1: {  	v3 =	vand.u32 $0x7, v3;
	v4 =	vand.u32 $0xFFFFFF80, v63  }
0x2f2: {  	v3 =	vor.u32 v3, v4  }
0x2f3: {  	v4 =	vperm.xlane v3, v0;
	_ =	sdelay $0x1  }
0x2f4: {  	v4 =	vadd.s32 v1, v4;
	_ =	sdelay $0x1  }
0x2f5: {  	_ =	swait.ge [sflag:s17], $0x8000  }
0x2f6: {  	[sflag:s17] =	ssyncset.done $0x0  }
0x2f7: {  	s22 =	simm.s32 $0x280;
	[sflag:s17] =	ssyncadd.s32 $0xFFFF8000  }
0x2f8: {  	[hbm4b:s2+s3] =	stream.indirect_vreg.scatter [tilespmem:s22], [sflag:$0x4], $0x80, v4, vm0, $0xb8;
	[tilespmem:$0x18280] =	vst v63  }
0x2f9: {  	s18 =	simm.s32 $0xA80  }
0x2fa: {  	[hbm4b:s5+s3] =	stream.indirect_vreg.scatter [tilespmem:s18], [sflag:$0x4], $0x80, v4, vm0, $0xb8;
	[tilespmem:$0x18280] =	vst v63  }
0x2fb: {  	s31 =	simm.s32 $0x1280  }
0x2fc: {  	[hbm4b:s6+s3] =	stream.indirect_vreg.scatter [tilespmem:s31], [sflag:$0x4], $0x80, v4, vm0, $0xb8;
	[tilespmem:$0x18280] =	vst v63  }
0x2fd: {  	s28 =	simm.s32 $0x1A80  }
0x2fe: {  	[hbm4b:s7+s3] =	stream.indirect_vreg.scatter [tilespmem:s28], [sflag:$0x4], $0x80, v4, vm0, $0xb8;
	[tilespmem:$0x18280] =	vst v63  }
0x2ff: {  	s30 =	simm.s32 $0x2280  }
0x300: {  	[hbm4b:s8+s3] =	stream.indirect_vreg.scatter [tilespmem:s30], [sflag:$0x4], $0x80, v4, vm0, $0xb8;
	[tilespmem:$0x18280] =	vst v63  }
0x301: {  	v3 =	vperm.xlane v3, v2;
	s28 =	simm.s32 $0x2A80  }
0x302: {  	[hbm4b:s9+s3] =	stream.indirect_vreg.scatter [tilespmem:s28], [sflag:$0x4], $0x80, v4, vm0, $0xb8;
	[tilespmem:$0x18280] =	vst v63  }
0x303: {  	s29 =	simm.s32 $0x3280;
	v3 =	vadd.s32 v1, v3  }
0x304: {  	[hbm4b:s10+s3] =	stream.indirect_vreg.scatter [tilespmem:s29], [sflag:$0x4], $0x80, v4, vm0, $0xb8;
	[tilespmem:$0x18280] =	vst v63  }
0x305: {  	s29 =	simm.s32 $0x3A80  }
0x306: {  	[hbm4b:s11+s3] =	stream.indirect_vreg.scatter [tilespmem:s29], [sflag:$0x4], $0x80, v4, vm0, $0xb8;
	[tilespmem:$0x18280] =	vst v63  }
0x307: {  	s15 =	simm.s32 $0x4280  }
0x308: {  	[hbm4b:s2+s3] =	stream.indirect_vreg.scatter [tilespmem:s15], [sflag:$0x4], $0x80, v3, vm0, $0xb8;
	[tilespmem:$0x18280] =	vst v63  }
0x309: {  	s30 =	simm.s32 $0x4A80  }
0x30a: {  	[hbm4b:s5+s3] =	stream.indirect_vreg.scatter [tilespmem:s30], [sflag:$0x4], $0x80, v3, vm0, $0xb8;
	[tilespmem:$0x18280] =	vst v63  }
0x30b: {  	s14 =	simm.s32 $0x5280  }
0x30c: {  	[hbm4b:s6+s3] =	stream.indirect_vreg.scatter [tilespmem:s14], [sflag:$0x4], $0x80, v3, vm0, $0xb8;
	[tilespmem:$0x18280] =	vst v63  }
0x30d: {  	s23 =	simm.s32 $0x5A80  }
0x30e: {  	[hbm4b:s7+s3] =	stream.indirect_vreg.scatter [tilespmem:s23], [sflag:$0x4], $0x80, v3, vm0, $0xb8;
	[tilespmem:$0x18280] =	vst v63  }
0x30f: {  	s24 =	simm.s32 $0x6280  }
0x310: {  	[hbm4b:s8+s3] =	stream.indirect_vreg.scatter [tilespmem:s24], [sflag:$0x4], $0x80, v3, vm0, $0xb8;
	[tilespmem:$0x18280] =	vst v63  }
0x311: {  	s25 =	simm.s32 $0x6A80  }
0x312: {  	[hbm4b:s9+s3] =	stream.indirect_vreg.scatter [tilespmem:s25], [sflag:$0x4], $0x80, v3, vm0, $0xb8;
	[tilespmem:$0x18280] =	vst v63  }
0x313: {  	s26 =	simm.s32 $0x7280  }
0x314: {  	[hbm4b:s10+s3] =	stream.indirect_vreg.scatter [tilespmem:s26], [sflag:$0x4], $0x80, v3, vm0, $0xb8;
	[tilespmem:$0x18280] =	vst v63  }
0x315: {  	s31 =	simm.s32 $0x7A80  }
0x316: {  	[hbm4b:s11+s3] =	stream.indirect_vreg.scatter [tilespmem:s31], [sflag:$0x4], $0x80, v3, vm0, $0xb8;
	[tilespmem:$0x18280] =	vst v63  }
0x317: {  	s22 =	rddreg [dreg:$0x1b];
	_ =	swait.ge [sflag:s19], $0x8000  }
0x318: {  	[sflag:s19] =	ssyncset.done $0x0  }
0x319: {  	[sflag:s19] =	ssyncadd.s32 $0xFFFF8000  }
0x31a: {  	p0 =	sne.s32 s22, $0x1;
	_ =	swait.ge [sflag:s21], $0x8000  }
.Ltmp0:
0x31b: {  	[sflag:s21] =	ssyncset.done $0x0;
	(pc) =	sbr.rel @p0 .LBB2_1-.Ltmp0, $4  }
0x31c: {  	[sflag:s21] =	ssyncadd.s32 $0xFFFF8000  }
0x31d: {  	_ =	swait.ge [sflag:s4], $0x8000  }
0x31e: {  	[sflag:s4] =	ssyncset.done $0x0  }
0x31f: {  	s1 =	sadd.s32 $0xFFFFFFFF, s22;
	[sflag:s4] =	ssyncadd.s32 $0xFFFF8000  }
0x320: {  	_ =	sfence.sel $0x180000  }
0x321: {  	[bflag:$0x0] =	sbarrier.arrive $0xFFFF  }
0x322: {  	_ =	strace $0x90000047  }
0x323: {  	s0 =	stileid.u32;
	[bflag:$0x2] =	sbarrier.arrive $0xFFFF  }
0x324: {  	p0 =	sne.s32 s0, $0x0;
	s0 =	rddreg [dreg:$0x5]  }
0x325: {  	s0 =	sadd.s32 @!p0 $0x100000, s0  }
0x326: {  	[sflag:s0] =	ssyncadd.tile.s32 @!p0 $0x1;
	_ =	shalt  }
.Lfunc_end2:
_tile_overlayer_lowered:
.L_overlay_start_2:
0x327: {  	(tag) =	ssettag $0x2  }
0x328: {  	s0 =	rddreg [dreg:$0x0];
	s2 =	stileid.u32  }
0x329: {  	s1 =	rddreg [dreg:$0x1];
	p0 =	sne.s32 s2, $0x0  }
0x32a: {  	s3 =	rddreg [dreg:$0x2];
	[bflag:$0x3] =	sbarrier.arrive $0xFFFF;
	s2 =	simm.s32 @!p0 $0x1C07  }
0x32b: {  	[timem:s3], [sflag:s2] =	dma.local @!p0 [hbm:s0], s1  }
0x32c: {  	s0 =	simm.s32 @!p0 $0x7  }
0x32d: {  	_ =	swait.ge @!p0 [sflag:s0], s1  }
0x32e: {  	s1 =	ssub.s32 @!p0 $0x0, s1;
	[sflag:s0] =	ssyncset.done @!p0 $0x0  }
0x32f: {  	[sflag:s0] =	ssyncadd.s32 @!p0 s1  }
0x330: {  	[bflag:$0x3] =	sbarrier.arrive $0xFFFF  }
0x331: {  	_ =	shalt  }

</sc_bundles>
